<compile_context>
chip_gen: v7x
topology: tpu7x:2x2x1
jax: 0.10.2.dev20260603
libtpu: 0.0.44.dev20260713+nightly
codegen_flags: <defaults>
</compile_context>

<pallas_src>
import functools

import jax
import jax.numpy as jnp
from jax import lax
from jax.experimental import pallas as pl
from jax.experimental.pallas import tpu as pltpu
from jax.experimental.pallas import tpu_sc as plsc

N = 16 * 1024 * 1024
L = 16
CHUNK = 16384
UNROLL = 8
NBUF = 4
SPLIT = 2


def _make_sc_call():
  info = plsc.get_sparse_core_info()
  nw = info.num_cores * info.num_subcores
  per_w = N // nw
  n_chunks = per_w // CHUNK
  n_groups = n_chunks // NBUF
  sub = CHUNK // SPLIT
  vecs = CHUNK // L
  mesh = plsc.VectorSubcoreMesh(core_axis_name="c", subcore_axis_name="s")

  @functools.partial(
      pl.kernel,
      out_type=jax.ShapeDtypeStruct((nw * L,), jnp.int32),
      mesh=mesh,
      compiler_params=pltpu.CompilerParams(needs_layout_passes=False),
      scratch_types=[
          [pltpu.VMEM((CHUNK,), jnp.float32)] * NBUF,
          pltpu.VMEM((CHUNK,), jnp.int32),
          pltpu.VMEM((L,), jnp.int32),
          [pltpu.SemaphoreType.DMA] * NBUF,
      ],
  )
  def sc_kernel(x_hbm, out_hbm, xbs, idxb, flag_v, sems):
    wid = lax.axis_index("s") * info.num_cores + lax.axis_index("c")
    base_w = wid * per_w
    lane = lax.iota(jnp.int32, L)
    ones = jnp.ones((L,), jnp.int32)
    zeros = jnp.zeros((L,), jnp.int32)
    sixteens = jnp.full((L,), L, jnp.int32)

    def compact_and_check(xbuf, base_c, bad):
      def fast(t, carry):
        ptr, bad, az = carry
        v = xbuf[pl.ds(t * L, L)]
        z = v == 0.0
        mi = jnp.where(z, zeros, sixteens)
        idxs = (base_c + t * L) + lane
        plsc.store_scatter(idxb, [ptr], idxs)
        d = plsc.load_gather(idxb, [ptr])
        bad = bad | (d ^ idxs)
        az = jnp.logical_or(az, z)
        return ptr + mi, bad, az

      def safe(t, carry):
        ptr, bad = carry
        v = xbuf[pl.ds(t * L, L)]
        z = v == 0.0
        m = jnp.logical_not(z)
        mi = jnp.where(z, zeros, sixteens)
        idxs = (base_c + t * L) + lane
        plsc.store_scatter(idxb, [ptr], idxs, mask=m)
        d = plsc.load_gather(idxb, [ptr], mask=m)
        bad = bad | jnp.where(z, zeros, d ^ idxs)
        return ptr + mi, bad

      fz = jnp.zeros((L,), jnp.bool_)
      _, bad_f, az = plsc.parallel_loop(
          0, vecs, unroll=UNROLL, carry=(lane, bad, fz))(fast)
      return lax.cond(
          jnp.any(az),
          lambda _: plsc.parallel_loop(
              0, vecs, unroll=UNROLL, carry=(lane, bad))(safe)[1],
          lambda _: bad_f,
          0)

    def issue(buf, sem, addr):
      for k in range(SPLIT):
        pltpu.async_copy(
            x_hbm.at[pl.ds(addr + k * sub, sub)], buf.at[pl.ds(k * sub, sub)],
            sem)

    def wait(buf, sem):
      pltpu.make_async_copy(x_hbm.at[pl.ds(0, CHUNK)], buf, sem).wait()

    for b in range(NBUF):
      issue(xbs[b], sems[b], base_w + b * CHUNK)

    def group_body(q, bad):
      c0 = q * NBUF
      for b in range(NBUF):
        base_c = base_w + (c0 + b) * CHUNK
        wait(xbs[b], sems[b])
        bad = compact_and_check(xbs[b], base_c, bad)
        nxt = jnp.minimum(base_c + NBUF * CHUNK, N - CHUNK)
        issue(xbs[b], sems[b], nxt)
      return bad

    bad = lax.fori_loop(0, n_groups, group_body, zeros)
    for b in range(NBUF):
      wait(xbs[b], sems[b])

    flag_v[...] = jnp.where(bad == 0, ones, zeros)
    pltpu.sync_copy(flag_v, out_hbm.at[pl.ds(wid * L, L)])

  return sc_kernel


_sc_call = None


def kernel(x):
  global _sc_call
  if _sc_call is None:
    _sc_call = _make_sc_call()
  flags = _sc_call(x)
  return jnp.all(flags == 1)

# --- scband reference (transcript-rebuilt; emitter-appended) ---
"""Pipeline reference for scband-my-model-61933428412579 (READ-ONLY COPY).

The authoritative reference and input builder live on the scoring server;
editing this copy changes nothing except your own understanding.
"""

import jax, jax.numpy as jnp
import numpy as np


def setup_inputs(seed: int = 0) -> dict:
    key = jax.random.key(seed)
    x = jax.random.normal(key, (16777216,), dtype=jnp.float32)
    return {"x": x}


def reference(x):
    n = x.size
    # deprecated_output = x.nonzero() -> shape [nnz, 1] for 1-D input
    nz = jnp.nonzero(x, size=n, fill_value=0)
    deprecated_output = jnp.stack(nz, axis=1)  # [nnz, 1]
    # correct_output_tuple = x.nonzero(as_tuple=True); correct_output = tuple[0]
    correct_output = nz[0]  # [nnz]
    deprecated_squeezed = deprecated_output[:, 0]  # squeeze(1)
    return jnp.all(deprecated_squeezed == correct_output)

if __name__ == "__main__":
    import jax
    _d = setup_inputs()
    print(jax.jit(kernel)(*tuple(_d.values())))

</pallas_src>

<mosaic_0001>
#map = affine_map<(d0, d1) -> (0)>
module attributes {stable_mosaic.version = 14 : i64} {
  func.func @sc_kernel(%arg0: i32, %arg1: i32, %arg2: memref<16777216xf32, #tpu.memory_space<hbm>>, %arg3: memref<512xi32, #tpu.memory_space<hbm>>, %arg4: memref<16384xf32, #tpu.memory_space<vmem>>, %arg5: memref<16384xf32, #tpu.memory_space<vmem>>, %arg6: memref<16384xf32, #tpu.memory_space<vmem>>, %arg7: memref<16384xf32, #tpu.memory_space<vmem>>, %arg8: memref<16384xi32, #tpu.memory_space<vmem>>, %arg9: memref<16xi32, #tpu.memory_space<vmem>>, %arg10: memref<!tpu.dma_semaphore, #tpu.memory_space<semaphore_mem>>, %arg11: memref<!tpu.dma_semaphore, #tpu.memory_space<semaphore_mem>>, %arg12: memref<!tpu.dma_semaphore, #tpu.memory_space<semaphore_mem>>, %arg13: memref<!tpu.dma_semaphore, #tpu.memory_space<semaphore_mem>>) attributes {dimension_semantics = [#tpu.dimension_semantics<core_parallel>, #tpu.dimension_semantics<subcore_parallel>], iteration_bounds = array<i64: 2, 16>, scalar_prefetch = 0 : i64, scratch_operands = 10 : i64, tpu.core_type = #tpu.core_type<sc_vector_subcore>, window_params = [{transform_indices = #map}, {transform_indices = #map}]} {
    %mul3A = arith.constant 2 : i32
    %mul3A_0 = arith.muli %arg1, %mul3A : i32
    %add3A = arith.addi %mul3A_0, %arg0 : i32
    %mul3A_1 = arith.constant 524288 : i32
    %mul3A_2 = arith.muli %add3A, %mul3A_1 : i32
    %iota3A = tpu.iota {dimensions = array<i32: 0>} : vector<16xi32>
    %broadcast_in_dim3A = arith.constant 1 : i32
    %broadcast_in_dim3A_3 = vector.broadcast %broadcast_in_dim3A : i32 to vector<16xi32>
    %broadcast_in_dim3A_4 = arith.constant 0 : i32
    %broadcast_in_dim3A_5 = vector.broadcast %broadcast_in_dim3A_4 : i32 to vector<16xi32>
    %broadcast_in_dim3A_6 = arith.constant 16 : i32
    %broadcast_in_dim3A_7 = vector.broadcast %broadcast_in_dim3A_6 : i32 to vector<16xi32>
    %add3A_8 = arith.constant 0 : i32
    %add3A_9 = arith.addi %mul3A_2, %add3A_8 : i32
    %add3A_10 = arith.constant 0 : i32
    %add3A_11 = arith.addi %add3A_9, %add3A_10 : i32
    %dma_start3A = arith.constant 0 : i32
    %dma_start3A_12 = tpu.memref_slice %arg4[%dma_start3A] : memref<16384xf32, #tpu.memory_space<vmem>> -> memref<8192xf32, #tpu.memory_space<vmem>>
    %dma_start3A_13 = tpu.memref_slice %arg2[%add3A_11] : memref<16777216xf32, #tpu.memory_space<hbm>> -> memref<8192xf32, #tpu.memory_space<hbm>>
    %dma_start3A_14 = arith.constant 0 : i32
    %dma_start3A_15 = tpu.memref_slice %arg4[%dma_start3A_14] : memref<16384xf32, #tpu.memory_space<vmem>> -> memref<8192xf32, #tpu.memory_space<vmem>>
    %dma_start3A_16 = tpu.memref_slice %arg2[%add3A_11] : memref<16777216xf32, #tpu.memory_space<hbm>> -> memref<8192xf32, #tpu.memory_space<hbm>>
    tpu.enqueue_dma source(%dma_start3A_16 : memref<8192xf32, #tpu.memory_space<hbm>>) target(%dma_start3A_15 : memref<8192xf32, #tpu.memory_space<vmem>>) target_semaphore(%arg10 : memref<!tpu.dma_semaphore, #tpu.memory_space<semaphore_mem>>)
    %add3A_17 = arith.constant 8192 : i32
    %add3A_18 = arith.addi %add3A_9, %add3A_17 : i32
    %dma_start3A_19 = arith.constant 8192 : i32
    %dma_start3A_20 = tpu.memref_slice %arg4[%dma_start3A_19] : memref<16384xf32, #tpu.memory_space<vmem>> -> memref<8192xf32, #tpu.memory_space<vmem>>
    %dma_start3A_21 = tpu.memref_slice %arg2[%add3A_18] : memref<16777216xf32, #tpu.memory_space<hbm>> -> memref<8192xf32, #tpu.memory_space<hbm>>
    %dma_start3A_22 = arith.constant 8192 : i32
    %dma_start3A_23 = tpu.memref_slice %arg4[%dma_start3A_22] : memref<16384xf32, #tpu.memory_space<vmem>> -> memref<8192xf32, #tpu.memory_space<vmem>>
    %dma_start3A_24 = tpu.memref_slice %arg2[%add3A_18] : memref<16777216xf32, #tpu.memory_space<hbm>> -> memref<8192xf32, #tpu.memory_space<hbm>>
    tpu.enqueue_dma source(%dma_start3A_24 : memref<8192xf32, #tpu.memory_space<hbm>>) target(%dma_start3A_23 : memref<8192xf32, #tpu.memory_space<vmem>>) target_semaphore(%arg10 : memref<!tpu.dma_semaphore, #tpu.memory_space<semaphore_mem>>)
    %add3A_25 = arith.constant 16384 : i32
    %add3A_26 = arith.addi %mul3A_2, %add3A_25 : i32
    %add3A_27 = arith.constant 0 : i32
    %add3A_28 = arith.addi %add3A_26, %add3A_27 : i32
    %dma_start3A_29 = arith.constant 0 : i32
    %dma_start3A_30 = tpu.memref_slice %arg5[%dma_start3A_29] : memref<16384xf32, #tpu.memory_space<vmem>> -> memref<8192xf32, #tpu.memory_space<vmem>>
    %dma_start3A_31 = tpu.memref_slice %arg2[%add3A_28] : memref<16777216xf32, #tpu.memory_space<hbm>> -> memref<8192xf32, #tpu.memory_space<hbm>>
    %dma_start3A_32 = arith.constant 0 : i32
    %dma_start3A_33 = tpu.memref_slice %arg5[%dma_start3A_32] : memref<16384xf32, #tpu.memory_space<vmem>> -> memref<8192xf32, #tpu.memory_space<vmem>>
    %dma_start3A_34 = tpu.memref_slice %arg2[%add3A_28] : memref<16777216xf32, #tpu.memory_space<hbm>> -> memref<8192xf32, #tpu.memory_space<hbm>>
    tpu.enqueue_dma source(%dma_start3A_34 : memref<8192xf32, #tpu.memory_space<hbm>>) target(%dma_start3A_33 : memref<8192xf32, #tpu.memory_space<vmem>>) target_semaphore(%arg11 : memref<!tpu.dma_semaphore, #tpu.memory_space<semaphore_mem>>)
    %add3A_35 = arith.constant 8192 : i32
    %add3A_36 = arith.addi %add3A_26, %add3A_35 : i32
    %dma_start3A_37 = arith.constant 8192 : i32
    %dma_start3A_38 = tpu.memref_slice %arg5[%dma_start3A_37] : memref<16384xf32, #tpu.memory_space<vmem>> -> memref<8192xf32, #tpu.memory_space<vmem>>
    %dma_start3A_39 = tpu.memref_slice %arg2[%add3A_36] : memref<16777216xf32, #tpu.memory_space<hbm>> -> memref<8192xf32, #tpu.memory_space<hbm>>
    %dma_start3A_40 = arith.constant 8192 : i32
    %dma_start3A_41 = tpu.memref_slice %arg5[%dma_start3A_40] : memref<16384xf32, #tpu.memory_space<vmem>> -> memref<8192xf32, #tpu.memory_space<vmem>>
    %dma_start3A_42 = tpu.memref_slice %arg2[%add3A_36] : memref<16777216xf32, #tpu.memory_space<hbm>> -> memref<8192xf32, #tpu.memory_space<hbm>>
    tpu.enqueue_dma source(%dma_start3A_42 : memref<8192xf32, #tpu.memory_space<hbm>>) target(%dma_start3A_41 : memref<8192xf32, #tpu.memory_space<vmem>>) target_semaphore(%arg11 : memref<!tpu.dma_semaphore, #tpu.memory_space<semaphore_mem>>)
    %add3A_43 = arith.constant 32768 : i32
    %add3A_44 = arith.addi %mul3A_2, %add3A_43 : i32
    %add3A_45 = arith.constant 0 : i32
    %add3A_46 = arith.addi %add3A_44, %add3A_45 : i32
    %dma_start3A_47 = arith.constant 0 : i32
    %dma_start3A_48 = tpu.memref_slice %arg6[%dma_start3A_47] : memref<16384xf32, #tpu.memory_space<vmem>> -> memref<8192xf32, #tpu.memory_space<vmem>>
    %dma_start3A_49 = tpu.memref_slice %arg2[%add3A_46] : memref<16777216xf32, #tpu.memory_space<hbm>> -> memref<8192xf32, #tpu.memory_space<hbm>>
    %dma_start3A_50 = arith.constant 0 : i32
    %dma_start3A_51 = tpu.memref_slice %arg6[%dma_start3A_50] : memref<16384xf32, #tpu.memory_space<vmem>> -> memref<8192xf32, #tpu.memory_space<vmem>>
    %dma_start3A_52 = tpu.memref_slice %arg2[%add3A_46] : memref<16777216xf32, #tpu.memory_space<hbm>> -> memref<8192xf32, #tpu.memory_space<hbm>>
    tpu.enqueue_dma source(%dma_start3A_52 : memref<8192xf32, #tpu.memory_space<hbm>>) target(%dma_start3A_51 : memref<8192xf32, #tpu.memory_space<vmem>>) target_semaphore(%arg12 : memref<!tpu.dma_semaphore, #tpu.memory_space<semaphore_mem>>)
    %add3A_53 = arith.constant 8192 : i32
    %add3A_54 = arith.addi %add3A_44, %add3A_53 : i32
    %dma_start3A_55 = arith.constant 8192 : i32
    %dma_start3A_56 = tpu.memref_slice %arg6[%dma_start3A_55] : memref<16384xf32, #tpu.memory_space<vmem>> -> memref<8192xf32, #tpu.memory_space<vmem>>
    %dma_start3A_57 = tpu.memref_slice %arg2[%add3A_54] : memref<16777216xf32, #tpu.memory_space<hbm>> -> memref<8192xf32, #tpu.memory_space<hbm>>
    %dma_start3A_58 = arith.constant 8192 : i32
    %dma_start3A_59 = tpu.memref_slice %arg6[%dma_start3A_58] : memref<16384xf32, #tpu.memory_space<vmem>> -> memref<8192xf32, #tpu.memory_space<vmem>>
    %dma_start3A_60 = tpu.memref_slice %arg2[%add3A_54] : memref<16777216xf32, #tpu.memory_space<hbm>> -> memref<8192xf32, #tpu.memory_space<hbm>>
    tpu.enqueue_dma source(%dma_start3A_60 : memref<8192xf32, #tpu.memory_space<hbm>>) target(%dma_start3A_59 : memref<8192xf32, #tpu.memory_space<vmem>>) target_semaphore(%arg12 : memref<!tpu.dma_semaphore, #tpu.memory_space<semaphore_mem>>)
    %add3A_61 = arith.constant 49152 : i32
    %add3A_62 = arith.addi %mul3A_2, %add3A_61 : i32
    %add3A_63 = arith.constant 0 : i32
    %add3A_64 = arith.addi %add3A_62, %add3A_63 : i32
    %dma_start3A_65 = arith.constant 0 : i32
    %dma_start3A_66 = tpu.memref_slice %arg7[%dma_start3A_65] : memref<16384xf32, #tpu.memory_space<vmem>> -> memref<8192xf32, #tpu.memory_space<vmem>>
    %dma_start3A_67 = tpu.memref_slice %arg2[%add3A_64] : memref<16777216xf32, #tpu.memory_space<hbm>> -> memref<8192xf32, #tpu.memory_space<hbm>>
    %dma_start3A_68 = arith.constant 0 : i32
    %dma_start3A_69 = tpu.memref_slice %arg7[%dma_start3A_68] : memref<16384xf32, #tpu.memory_space<vmem>> -> memref<8192xf32, #tpu.memory_space<vmem>>
    %dma_start3A_70 = tpu.memref_slice %arg2[%add3A_64] : memref<16777216xf32, #tpu.memory_space<hbm>> -> memref<8192xf32, #tpu.memory_space<hbm>>
    tpu.enqueue_dma source(%dma_start3A_70 : memref<8192xf32, #tpu.memory_space<hbm>>) target(%dma_start3A_69 : memref<8192xf32, #tpu.memory_space<vmem>>) target_semaphore(%arg13 : memref<!tpu.dma_semaphore, #tpu.memory_space<semaphore_mem>>)
    %add3A_71 = arith.constant 8192 : i32
    %add3A_72 = arith.addi %add3A_62, %add3A_71 : i32
    %dma_start3A_73 = arith.constant 8192 : i32
    %dma_start3A_74 = tpu.memref_slice %arg7[%dma_start3A_73] : memref<16384xf32, #tpu.memory_space<vmem>> -> memref<8192xf32, #tpu.memory_space<vmem>>
    %dma_start3A_75 = tpu.memref_slice %arg2[%add3A_72] : memref<16777216xf32, #tpu.memory_space<hbm>> -> memref<8192xf32, #tpu.memory_space<hbm>>
    %dma_start3A_76 = arith.constant 8192 : i32
    %dma_start3A_77 = tpu.memref_slice %arg7[%dma_start3A_76] : memref<16384xf32, #tpu.memory_space<vmem>> -> memref<8192xf32, #tpu.memory_space<vmem>>
    %dma_start3A_78 = tpu.memref_slice %arg2[%add3A_72] : memref<16777216xf32, #tpu.memory_space<hbm>> -> memref<8192xf32, #tpu.memory_space<hbm>>
    tpu.enqueue_dma source(%dma_start3A_78 : memref<8192xf32, #tpu.memory_space<hbm>>) target(%dma_start3A_77 : memref<8192xf32, #tpu.memory_space<vmem>>) target_semaphore(%arg13 : memref<!tpu.dma_semaphore, #tpu.memory_space<semaphore_mem>>)
    %scan3A = arith.constant 0 : i32
    %scan3A_79 = arith.constant 8 : i32
    %scan3A_80 = arith.addi %scan3A, %scan3A_79 : i32
    %scan3A_81 = arith.constant 1 : i32
    %scan3A_82 = scf.for %scan3A_104 = %scan3A to %scan3A_80 step %scan3A_81 iter_args(%scan3A_105 = %broadcast_in_dim3A_5) -> (vector<16xi32>)  : i32 {
      %mul3A_106 = arith.constant 4 : i32
      %mul3A_107 = arith.muli %scan3A_104, %mul3A_106 : i32
      %add3A_108 = arith.constant 0 : i32
      %add3A_109 = arith.addi %mul3A_107, %add3A_108 : i32
      %mul3A_110 = arith.constant 16384 : i32
      %mul3A_111 = arith.muli %add3A_109, %mul3A_110 : i32
      %add3A_112 = arith.addi %mul3A_2, %mul3A_111 : i32
      %dma_wait3A_113 = arith.constant 0 : i32
      %dma_wait3A_114 = tpu.memref_slice %arg2[%dma_wait3A_113] : memref<16777216xf32, #tpu.memory_space<hbm>> -> memref<16384xf32, #tpu.memory_space<hbm>>
      %dma_wait3A_115 = arith.constant 0 : i32
      %dma_wait3A_116 = tpu.memref_slice %arg2[%dma_wait3A_115] : memref<16777216xf32, #tpu.memory_space<hbm>> -> memref<16384xf32, #tpu.memory_space<hbm>>
      tpu.wait_dma2 semaphore(%arg10 : memref<!tpu.dma_semaphore, #tpu.memory_space<semaphore_mem>>) src(%dma_wait3A_116 : memref<16384xf32, #tpu.memory_space<hbm>>) dst(%arg4 : memref<16384xf32, #tpu.memory_space<vmem>>)
      %broadcast_in_dim3A_117 = arith.constant false
      %broadcast_in_dim3A_118 = vector.broadcast %broadcast_in_dim3A_117 : i1 to vector<16xi1>
      %parallel_loop3A = arith.constant 0 : i32
      %parallel_loop3A_119 = arith.constant 1024 : i32
      %parallel_loop3A_120 = arith.constant 1 : i32
      %parallel_loop3A_121:3 = scf.for %parallel_loop3A_307 = %parallel_loop3A to %parallel_loop3A_119 step %parallel_loop3A_120 iter_args(%parallel_loop3A_308 = %iota3A, %parallel_loop3A_309 = %scan3A_105, %parallel_loop3A_310 = %broadcast_in_dim3A_118) -> (vector<16xi32>, vector<16xi32>, vector<16xi1>)  : i32 {
        %parallel_loop3A_311 = arith.constant 16 : i32
        %parallel_loop3A_312 = arith.muli %parallel_loop3A_307, %parallel_loop3A_311 : i32
        %parallel_loop3A_313 = arith.index_cast %parallel_loop3A_312 : i32 to index
        %parallel_loop3A_314 = tpu.vector_load %arg4[%parallel_loop3A_313] {strides = array<i32>} : memref<16384xf32, #tpu.memory_space<vmem>>, vector<16xf32>,
        %parallel_loop3A_315 = arith.constant 0.000000e+00 : f32
        %parallel_loop3A_316 = vector.broadcast %parallel_loop3A_315 : f32 to vector<16xf32>
        %parallel_loop3A_317 = arith.cmpf oeq, %parallel_loop3A_314, %parallel_loop3A_316 : vector<16xf32>
        %parallel_loop3A_318 = arith.select %parallel_loop3A_317, %broadcast_in_dim3A_5, %broadcast_in_dim3A_7 : vector<16xi1>, vector<16xi32>
        %parallel_loop3A_319 = arith.constant 16 : i32
        %parallel_loop3A_320 = arith.muli %parallel_loop3A_307, %parallel_loop3A_319 : i32
        %parallel_loop3A_321 = arith.addi %add3A_112, %parallel_loop3A_320 : i32
        %parallel_loop3A_322 = vector.broadcast %parallel_loop3A_321 : i32 to vector<16xi32>
        %parallel_loop3A_323 = arith.addi %parallel_loop3A_322, %iota3A : vector<16xi32>
        tpu.vector_store_idx %arg8[%parallel_loop3A_308], %parallel_loop3A_323 : memref<16384xi32, #tpu.memory_space<vmem>>[vector<16xi32>], vector<16xi32>,
        %parallel_loop3A_324 = tpu.vector_load_idx %arg8[%parallel_loop3A_308] : memref<16384xi32, #tpu.memory_space<vmem>>[vector<16xi32>], vector<16xi32>,
        %parallel_loop3A_325 = arith.xori %parallel_loop3A_324, %parallel_loop3A_323 : vector<16xi32>
        %parallel_loop3A_326 = arith.ori %parallel_loop3A_309, %parallel_loop3A_325 : vector<16xi32>
        %parallel_loop3A_327 = arith.ori %parallel_loop3A_310, %parallel_loop3A_317 : vector<16xi1>
        %parallel_loop3A_328 = arith.addi %parallel_loop3A_308, %parallel_loop3A_318 : vector<16xi32>
        scf.yield %parallel_loop3A_328, %parallel_loop3A_326, %parallel_loop3A_327 : vector<16xi32>, vector<16xi32>, vector<16xi1>
      } {sc.loop_unroll_factor = 8 : i64, sc.parallel_access}
      %reduce_or3A = arith.constant 1.000000e+00 : f32
      %reduce_or3A_122 = arith.constant 0.000000e+00 : f32
      %reduce_or3A_123 = vector.broadcast %reduce_or3A : f32 to vector<16xf32>
      %reduce_or3A_124 = vector.broadcast %reduce_or3A_122 : f32 to vector<16xf32>
      %reduce_or3A_125 = arith.select %parallel_loop3A_121#2, %reduce_or3A_123, %reduce_or3A_124 : vector<16xi1>, vector<16xf32>
      %reduce_or3A_126 = arith.constant true
      %reduce_or3A_127 = vector.broadcast %reduce_or3A_126 : i1 to vector<16xi1>
      %reduce_or3A_128 = tpu.scan <max>, %reduce_or3A_125 masked %reduce_or3A_127 : vector<16xf32>, vector<16xi1> -> vector<16xf32>
      %reduce_or3A_129 = vector.extract %reduce_or3A_128[15] : f32 from vector<16xf32>
      %reduce_or3A_130 = arith.constant 0.000000e+00 : f32
      %reduce_or3A_131 = arith.cmpf ogt, %reduce_or3A_129, %reduce_or3A_130 : f32
      %convert_element_type3A = arith.extui %reduce_or3A_131 : i1 to i32
      %cond3A = arith.constant 0 : i32
      %cond3A_132 = arith.constant 0 : i32
      %cond3A_133 = arith.cmpi ne, %convert_element_type3A, %cond3A_132 : i32
      %cond3A_134 = scf.if %cond3A_133 -> (vector<16xi32>) {
        %parallel_loop3A_307 = arith.constant 0 : i32
        %parallel_loop3A_308 = arith.constant 1024 : i32
        %parallel_loop3A_309 = arith.constant 1 : i32
        %parallel_loop3A_310:2 = scf.for %parallel_loop3A_311 = %parallel_loop3A_307 to %parallel_loop3A_308 step %parallel_loop3A_309 iter_args(%parallel_loop3A_312 = %iota3A, %parallel_loop3A_313 = %scan3A_105) -> (vector<16xi32>, vector<16xi32>)  : i32 {
          %parallel_loop3A_314 = arith.constant 16 : i32
          %parallel_loop3A_315 = arith.muli %parallel_loop3A_311, %parallel_loop3A_314 : i32
          %parallel_loop3A_316 = arith.index_cast %parallel_loop3A_315 : i32 to index
          %parallel_loop3A_317 = tpu.vector_load %arg4[%parallel_loop3A_316] {strides = array<i32>} : memref<16384xf32, #tpu.memory_space<vmem>>, vector<16xf32>,
          %parallel_loop3A_318 = arith.constant 0.000000e+00 : f32
          %parallel_loop3A_319 = vector.broadcast %parallel_loop3A_318 : f32 to vector<16xf32>
          %parallel_loop3A_320 = arith.cmpf oeq, %parallel_loop3A_317, %parallel_loop3A_319 : vector<16xf32>
          %parallel_loop3A_321 = arith.constant dense<true> : vector<16xi1>
          %parallel_loop3A_322 = arith.xori %parallel_loop3A_320, %parallel_loop3A_321 : vector<16xi1>
          %parallel_loop3A_323 = arith.select %parallel_loop3A_320, %broadcast_in_dim3A_5, %broadcast_in_dim3A_7 : vector<16xi1>, vector<16xi32>
          %parallel_loop3A_324 = arith.constant 16 : i32
          %parallel_loop3A_325 = arith.muli %parallel_loop3A_311, %parallel_loop3A_324 : i32
          %parallel_loop3A_326 = arith.addi %add3A_112, %parallel_loop3A_325 : i32
          %parallel_loop3A_327 = vector.broadcast %parallel_loop3A_326 : i32 to vector<16xi32>
          %parallel_loop3A_328 = arith.addi %parallel_loop3A_327, %iota3A : vector<16xi32>
          tpu.vector_store_idx %arg8[%parallel_loop3A_312], %parallel_loop3A_328 masked %parallel_loop3A_322 : memref<16384xi32, #tpu.memory_space<vmem>>[vector<16xi32>], vector<16xi32>, vector<16xi1>
          %parallel_loop3A_329 = tpu.vector_load_idx %arg8[%parallel_loop3A_312] masked %parallel_loop3A_322 : memref<16384xi32, #tpu.memory_space<vmem>>[vector<16xi32>], vector<16xi32>, vector<16xi1>
          %parallel_loop3A_330 = arith.xori %parallel_loop3A_329, %parallel_loop3A_328 : vector<16xi32>
          %parallel_loop3A_331 = arith.select %parallel_loop3A_320, %broadcast_in_dim3A_5, %parallel_loop3A_330 : vector<16xi1>, vector<16xi32>
          %parallel_loop3A_332 = arith.ori %parallel_loop3A_313, %parallel_loop3A_331 : vector<16xi32>
          %parallel_loop3A_333 = arith.addi %parallel_loop3A_312, %parallel_loop3A_323 : vector<16xi32>
          scf.yield %parallel_loop3A_333, %parallel_loop3A_332 : vector<16xi32>, vector<16xi32>
        } {sc.loop_unroll_factor = 8 : i64, sc.parallel_access}
        scf.yield %parallel_loop3A_310#1 : vector<16xi32>
      } else {
        scf.yield %parallel_loop3A_121#1 : vector<16xi32>
      }
      %add3A_135 = arith.constant 65536 : i32
      %add3A_136 = arith.addi %add3A_112, %add3A_135 : i32
      %min3A = arith.constant 16760832 : i32
      %min3A_137 = arith.minsi %add3A_136, %min3A : i32
      %add3A_138 = arith.constant 0 : i32
      %add3A_139 = arith.addi %min3A_137, %add3A_138 : i32
      %dma_start3A_140 = arith.constant 0 : i32
      %dma_start3A_141 = tpu.memref_slice %arg4[%dma_start3A_140] : memref<16384xf32, #tpu.memory_space<vmem>> -> memref<8192xf32, #tpu.memory_space<vmem>>
      %dma_start3A_142 = tpu.memref_slice %arg2[%add3A_139] : memref<16777216xf32, #tpu.memory_space<hbm>> -> memref<8192xf32, #tpu.memory_space<hbm>>
      %dma_start3A_143 = arith.constant 0 : i32
      %dma_start3A_144 = tpu.memref_slice %arg4[%dma_start3A_143] : memref<16384xf32, #tpu.memory_space<vmem>> -> memref<8192xf32, #tpu.memory_space<vmem>>
      %dma_start3A_145 = tpu.memref_slice %arg2[%add3A_139] : memref<16777216xf32, #tpu.memory_space<hbm>> -> memref<8192xf32, #tpu.memory_space<hbm>>
      tpu.enqueue_dma source(%dma_start3A_145 : memref<8192xf32, #tpu.memory_space<hbm>>) target(%dma_start3A_144 : memref<8192xf32, #tpu.memory_space<vmem>>) target_semaphore(%arg10 : memref<!tpu.dma_semaphore, #tpu.memory_space<semaphore_mem>>)
      %add3A_146 = arith.constant 8192 : i32
      %add3A_147 = arith.addi %min3A_137, %add3A_146 : i32
      %dma_start3A_148 = arith.constant 8192 : i32
      %dma_start3A_149 = tpu.memref_slice %arg4[%dma_start3A_148] : memref<16384xf32, #tpu.memory_space<vmem>> -> memref<8192xf32, #tpu.memory_space<vmem>>
      %dma_start3A_150 = tpu.memref_slice %arg2[%add3A_147] : memref<16777216xf32, #tpu.memory_space<hbm>> -> memref<8192xf32, #tpu.memory_space<hbm>>
      %dma_start3A_151 = arith.constant 8192 : i32
      %dma_start3A_152 = tpu.memref_slice %arg4[%dma_start3A_151] : memref<16384xf32, #tpu.memory_space<vmem>> -> memref<8192xf32, #tpu.memory_space<vmem>>
      %dma_start3A_153 = tpu.memref_slice %arg2[%add3A_147] : memref<16777216xf32, #tpu.memory_space<hbm>> -> memref<8192xf32, #tpu.memory_space<hbm>>
      tpu.enqueue_dma source(%dma_start3A_153 : memref<8192xf32, #tpu.memory_space<hbm>>) target(%dma_start3A_152 : memref<8192xf32, #tpu.memory_space<vmem>>) target_semaphore(%arg10 : memref<!tpu.dma_semaphore, #tpu.memory_space<semaphore_mem>>)
      %add3A_154 = arith.constant 1 : i32
      %add3A_155 = arith.addi %mul3A_107, %add3A_154 : i32
      %mul3A_156 = arith.constant 16384 : i32
      %mul3A_157 = arith.muli %add3A_155, %mul3A_156 : i32
      %add3A_158 = arith.addi %mul3A_2, %mul3A_157 : i32
      %dma_wait3A_159 = arith.constant 0 : i32
      %dma_wait3A_160 = tpu.memref_slice %arg2[%dma_wait3A_159] : memref<16777216xf32, #tpu.memory_space<hbm>> -> memref<16384xf32, #tpu.memory_space<hbm>>
      %dma_wait3A_161 = arith.constant 0 : i32
      %dma_wait3A_162 = tpu.memref_slice %arg2[%dma_wait3A_161] : memref<16777216xf32, #tpu.memory_space<hbm>> -> memref<16384xf32, #tpu.memory_space<hbm>>
      tpu.wait_dma2 semaphore(%arg11 : memref<!tpu.dma_semaphore, #tpu.memory_space<semaphore_mem>>) src(%dma_wait3A_162 : memref<16384xf32, #tpu.memory_space<hbm>>) dst(%arg5 : memref<16384xf32, #tpu.memory_space<vmem>>)
      %broadcast_in_dim3A_163 = arith.constant false
      %broadcast_in_dim3A_164 = vector.broadcast %broadcast_in_dim3A_163 : i1 to vector<16xi1>
      %parallel_loop3A_165 = arith.constant 0 : i32
      %parallel_loop3A_166 = arith.constant 1024 : i32
      %parallel_loop3A_167 = arith.constant 1 : i32
      %parallel_loop3A_168:3 = scf.for %parallel_loop3A_307 = %parallel_loop3A_165 to %parallel_loop3A_166 step %parallel_loop3A_167 iter_args(%parallel_loop3A_308 = %iota3A, %parallel_loop3A_309 = %cond3A_134, %parallel_loop3A_310 = %broadcast_in_dim3A_164) -> (vector<16xi32>, vector<16xi32>, vector<16xi1>)  : i32 {
        %parallel_loop3A_311 = arith.constant 16 : i32
        %parallel_loop3A_312 = arith.muli %parallel_loop3A_307, %parallel_loop3A_311 : i32
        %parallel_loop3A_313 = arith.index_cast %parallel_loop3A_312 : i32 to index
        %parallel_loop3A_314 = tpu.vector_load %arg5[%parallel_loop3A_313] {strides = array<i32>} : memref<16384xf32, #tpu.memory_space<vmem>>, vector<16xf32>,
        %parallel_loop3A_315 = arith.constant 0.000000e+00 : f32
        %parallel_loop3A_316 = vector.broadcast %parallel_loop3A_315 : f32 to vector<16xf32>
        %parallel_loop3A_317 = arith.cmpf oeq, %parallel_loop3A_314, %parallel_loop3A_316 : vector<16xf32>
        %parallel_loop3A_318 = arith.select %parallel_loop3A_317, %broadcast_in_dim3A_5, %broadcast_in_dim3A_7 : vector<16xi1>, vector<16xi32>
        %parallel_loop3A_319 = arith.constant 16 : i32
        %parallel_loop3A_320 = arith.muli %parallel_loop3A_307, %parallel_loop3A_319 : i32
        %parallel_loop3A_321 = arith.addi %add3A_158, %parallel_loop3A_320 : i32
        %parallel_loop3A_322 = vector.broadcast %parallel_loop3A_321 : i32 to vector<16xi32>
        %parallel_loop3A_323 = arith.addi %parallel_loop3A_322, %iota3A : vector<16xi32>
        tpu.vector_store_idx %arg8[%parallel_loop3A_308], %parallel_loop3A_323 : memref<16384xi32, #tpu.memory_space<vmem>>[vector<16xi32>], vector<16xi32>,
        %parallel_loop3A_324 = tpu.vector_load_idx %arg8[%parallel_loop3A_308] : memref<16384xi32, #tpu.memory_space<vmem>>[vector<16xi32>], vector<16xi32>,
        %parallel_loop3A_325 = arith.xori %parallel_loop3A_324, %parallel_loop3A_323 : vector<16xi32>
        %parallel_loop3A_326 = arith.ori %parallel_loop3A_309, %parallel_loop3A_325 : vector<16xi32>
        %parallel_loop3A_327 = arith.ori %parallel_loop3A_310, %parallel_loop3A_317 : vector<16xi1>
        %parallel_loop3A_328 = arith.addi %parallel_loop3A_308, %parallel_loop3A_318 : vector<16xi32>
        scf.yield %parallel_loop3A_328, %parallel_loop3A_326, %parallel_loop3A_327 : vector<16xi32>, vector<16xi32>, vector<16xi1>
      } {sc.loop_unroll_factor = 8 : i64, sc.parallel_access}
      %reduce_or3A_169 = arith.constant 1.000000e+00 : f32
      %reduce_or3A_170 = arith.constant 0.000000e+00 : f32
      %reduce_or3A_171 = vector.broadcast %reduce_or3A_169 : f32 to vector<16xf32>
      %reduce_or3A_172 = vector.broadcast %reduce_or3A_170 : f32 to vector<16xf32>
      %reduce_or3A_173 = arith.select %parallel_loop3A_168#2, %reduce_or3A_171, %reduce_or3A_172 : vector<16xi1>, vector<16xf32>
      %reduce_or3A_174 = arith.constant true
      %reduce_or3A_175 = vector.broadcast %reduce_or3A_174 : i1 to vector<16xi1>
      %reduce_or3A_176 = tpu.scan <max>, %reduce_or3A_173 masked %reduce_or3A_175 : vector<16xf32>, vector<16xi1> -> vector<16xf32>
      %reduce_or3A_177 = vector.extract %reduce_or3A_176[15] : f32 from vector<16xf32>
      %reduce_or3A_178 = arith.constant 0.000000e+00 : f32
      %reduce_or3A_179 = arith.cmpf ogt, %reduce_or3A_177, %reduce_or3A_178 : f32
      %convert_element_type3A_180 = arith.extui %reduce_or3A_179 : i1 to i32
      %cond3A_181 = arith.constant 0 : i32
      %cond3A_182 = arith.constant 0 : i32
      %cond3A_183 = arith.cmpi ne, %convert_element_type3A_180, %cond3A_182 : i32
      %cond3A_184 = scf.if %cond3A_183 -> (vector<16xi32>) {
        %parallel_loop3A_307 = arith.constant 0 : i32
        %parallel_loop3A_308 = arith.constant 1024 : i32
        %parallel_loop3A_309 = arith.constant 1 : i32
        %parallel_loop3A_310:2 = scf.for %parallel_loop3A_311 = %parallel_loop3A_307 to %parallel_loop3A_308 step %parallel_loop3A_309 iter_args(%parallel_loop3A_312 = %iota3A, %parallel_loop3A_313 = %cond3A_134) -> (vector<16xi32>, vector<16xi32>)  : i32 {
          %parallel_loop3A_314 = arith.constant 16 : i32
          %parallel_loop3A_315 = arith.muli %parallel_loop3A_311, %parallel_loop3A_314 : i32
          %parallel_loop3A_316 = arith.index_cast %parallel_loop3A_315 : i32 to index
          %parallel_loop3A_317 = tpu.vector_load %arg5[%parallel_loop3A_316] {strides = array<i32>} : memref<16384xf32, #tpu.memory_space<vmem>>, vector<16xf32>,
          %parallel_loop3A_318 = arith.constant 0.000000e+00 : f32
          %parallel_loop3A_319 = vector.broadcast %parallel_loop3A_318 : f32 to vector<16xf32>
          %parallel_loop3A_320 = arith.cmpf oeq, %parallel_loop3A_317, %parallel_loop3A_319 : vector<16xf32>
          %parallel_loop3A_321 = arith.constant dense<true> : vector<16xi1>
          %parallel_loop3A_322 = arith.xori %parallel_loop3A_320, %parallel_loop3A_321 : vector<16xi1>
          %parallel_loop3A_323 = arith.select %parallel_loop3A_320, %broadcast_in_dim3A_5, %broadcast_in_dim3A_7 : vector<16xi1>, vector<16xi32>
          %parallel_loop3A_324 = arith.constant 16 : i32
          %parallel_loop3A_325 = arith.muli %parallel_loop3A_311, %parallel_loop3A_324 : i32
          %parallel_loop3A_326 = arith.addi %add3A_158, %parallel_loop3A_325 : i32
          %parallel_loop3A_327 = vector.broadcast %parallel_loop3A_326 : i32 to vector<16xi32>
          %parallel_loop3A_328 = arith.addi %parallel_loop3A_327, %iota3A : vector<16xi32>
          tpu.vector_store_idx %arg8[%parallel_loop3A_312], %parallel_loop3A_328 masked %parallel_loop3A_322 : memref<16384xi32, #tpu.memory_space<vmem>>[vector<16xi32>], vector<16xi32>, vector<16xi1>
          %parallel_loop3A_329 = tpu.vector_load_idx %arg8[%parallel_loop3A_312] masked %parallel_loop3A_322 : memref<16384xi32, #tpu.memory_space<vmem>>[vector<16xi32>], vector<16xi32>, vector<16xi1>
          %parallel_loop3A_330 = arith.xori %parallel_loop3A_329, %parallel_loop3A_328 : vector<16xi32>
          %parallel_loop3A_331 = arith.select %parallel_loop3A_320, %broadcast_in_dim3A_5, %parallel_loop3A_330 : vector<16xi1>, vector<16xi32>
          %parallel_loop3A_332 = arith.ori %parallel_loop3A_313, %parallel_loop3A_331 : vector<16xi32>
          %parallel_loop3A_333 = arith.addi %parallel_loop3A_312, %parallel_loop3A_323 : vector<16xi32>
          scf.yield %parallel_loop3A_333, %parallel_loop3A_332 : vector<16xi32>, vector<16xi32>
        } {sc.loop_unroll_factor = 8 : i64, sc.parallel_access}
        scf.yield %parallel_loop3A_310#1 : vector<16xi32>
      } else {
        scf.yield %parallel_loop3A_168#1 : vector<16xi32>
      }
      %add3A_185 = arith.constant 65536 : i32
      %add3A_186 = arith.addi %add3A_158, %add3A_185 : i32
      %min3A_187 = arith.constant 16760832 : i32
      %min3A_188 = arith.minsi %add3A_186, %min3A_187 : i32
      %add3A_189 = arith.constant 0 : i32
      %add3A_190 = arith.addi %min3A_188, %add3A_189 : i32
      %dma_start3A_191 = arith.constant 0 : i32
      %dma_start3A_192 = tpu.memref_slice %arg5[%dma_start3A_191] : memref<16384xf32, #tpu.memory_space<vmem>> -> memref<8192xf32, #tpu.memory_space<vmem>>
      %dma_start3A_193 = tpu.memref_slice %arg2[%add3A_190] : memref<16777216xf32, #tpu.memory_space<hbm>> -> memref<8192xf32, #tpu.memory_space<hbm>>
      %dma_start3A_194 = arith.constant 0 : i32
      %dma_start3A_195 = tpu.memref_slice %arg5[%dma_start3A_194] : memref<16384xf32, #tpu.memory_space<vmem>> -> memref<8192xf32, #tpu.memory_space<vmem>>
      %dma_start3A_196 = tpu.memref_slice %arg2[%add3A_190] : memref<16777216xf32, #tpu.memory_space<hbm>> -> memref<8192xf32, #tpu.memory_space<hbm>>
      tpu.enqueue_dma source(%dma_start3A_196 : memref<8192xf32, #tpu.memory_space<hbm>>) target(%dma_start3A_195 : memref<8192xf32, #tpu.memory_space<vmem>>) target_semaphore(%arg11 : memref<!tpu.dma_semaphore, #tpu.memory_space<semaphore_mem>>)
      %add3A_197 = arith.constant 8192 : i32
      %add3A_198 = arith.addi %min3A_188, %add3A_197 : i32
      %dma_start3A_199 = arith.constant 8192 : i32
      %dma_start3A_200 = tpu.memref_slice %arg5[%dma_start3A_199] : memref<16384xf32, #tpu.memory_space<vmem>> -> memref<8192xf32, #tpu.memory_space<vmem>>
      %dma_start3A_201 = tpu.memref_slice %arg2[%add3A_198] : memref<16777216xf32, #tpu.memory_space<hbm>> -> memref<8192xf32, #tpu.memory_space<hbm>>
      %dma_start3A_202 = arith.constant 8192 : i32
      %dma_start3A_203 = tpu.memref_slice %arg5[%dma_start3A_202] : memref<16384xf32, #tpu.memory_space<vmem>> -> memref<8192xf32, #tpu.memory_space<vmem>>
      %dma_start3A_204 = tpu.memref_slice %arg2[%add3A_198] : memref<16777216xf32, #tpu.memory_space<hbm>> -> memref<8192xf32, #tpu.memory_space<hbm>>
      tpu.enqueue_dma source(%dma_start3A_204 : memref<8192xf32, #tpu.memory_space<hbm>>) target(%dma_start3A_203 : memref<8192xf32, #tpu.memory_space<vmem>>) target_semaphore(%arg11 : memref<!tpu.dma_semaphore, #tpu.memory_space<semaphore_mem>>)
      %add3A_205 = arith.constant 2 : i32
      %add3A_206 = arith.addi %mul3A_107, %add3A_205 : i32
      %mul3A_207 = arith.constant 16384 : i32
      %mul3A_208 = arith.muli %add3A_206, %mul3A_207 : i32
      %add3A_209 = arith.addi %mul3A_2, %mul3A_208 : i32
      %dma_wait3A_210 = arith.constant 0 : i32
      %dma_wait3A_211 = tpu.memref_slice %arg2[%dma_wait3A_210] : memref<16777216xf32, #tpu.memory_space<hbm>> -> memref<16384xf32, #tpu.memory_space<hbm>>
      %dma_wait3A_212 = arith.constant 0 : i32
      %dma_wait3A_213 = tpu.memref_slice %arg2[%dma_wait3A_212] : memref<16777216xf32, #tpu.memory_space<hbm>> -> memref<16384xf32, #tpu.memory_space<hbm>>
      tpu.wait_dma2 semaphore(%arg12 : memref<!tpu.dma_semaphore, #tpu.memory_space<semaphore_mem>>) src(%dma_wait3A_213 : memref<16384xf32, #tpu.memory_space<hbm>>) dst(%arg6 : memref<16384xf32, #tpu.memory_space<vmem>>)
      %broadcast_in_dim3A_214 = arith.constant false
      %broadcast_in_dim3A_215 = vector.broadcast %broadcast_in_dim3A_214 : i1 to vector<16xi1>
      %parallel_loop3A_216 = arith.constant 0 : i32
      %parallel_loop3A_217 = arith.constant 1024 : i32
      %parallel_loop3A_218 = arith.constant 1 : i32
      %parallel_loop3A_219:3 = scf.for %parallel_loop3A_307 = %parallel_loop3A_216 to %parallel_loop3A_217 step %parallel_loop3A_218 iter_args(%parallel_loop3A_308 = %iota3A, %parallel_loop3A_309 = %cond3A_184, %parallel_loop3A_310 = %broadcast_in_dim3A_215) -> (vector<16xi32>, vector<16xi32>, vector<16xi1>)  : i32 {
        %parallel_loop3A_311 = arith.constant 16 : i32
        %parallel_loop3A_312 = arith.muli %parallel_loop3A_307, %parallel_loop3A_311 : i32
        %parallel_loop3A_313 = arith.index_cast %parallel_loop3A_312 : i32 to index
        %parallel_loop3A_314 = tpu.vector_load %arg6[%parallel_loop3A_313] {strides = array<i32>} : memref<16384xf32, #tpu.memory_space<vmem>>, vector<16xf32>,
        %parallel_loop3A_315 = arith.constant 0.000000e+00 : f32
        %parallel_loop3A_316 = vector.broadcast %parallel_loop3A_315 : f32 to vector<16xf32>
        %parallel_loop3A_317 = arith.cmpf oeq, %parallel_loop3A_314, %parallel_loop3A_316 : vector<16xf32>
        %parallel_loop3A_318 = arith.select %parallel_loop3A_317, %broadcast_in_dim3A_5, %broadcast_in_dim3A_7 : vector<16xi1>, vector<16xi32>
        %parallel_loop3A_319 = arith.constant 16 : i32
        %parallel_loop3A_320 = arith.muli %parallel_loop3A_307, %parallel_loop3A_319 : i32
        %parallel_loop3A_321 = arith.addi %add3A_209, %parallel_loop3A_320 : i32
        %parallel_loop3A_322 = vector.broadcast %parallel_loop3A_321 : i32 to vector<16xi32>
        %parallel_loop3A_323 = arith.addi %parallel_loop3A_322, %iota3A : vector<16xi32>
        tpu.vector_store_idx %arg8[%parallel_loop3A_308], %parallel_loop3A_323 : memref<16384xi32, #tpu.memory_space<vmem>>[vector<16xi32>], vector<16xi32>,
        %parallel_loop3A_324 = tpu.vector_load_idx %arg8[%parallel_loop3A_308] : memref<16384xi32, #tpu.memory_space<vmem>>[vector<16xi32>], vector<16xi32>,
        %parallel_loop3A_325 = arith.xori %parallel_loop3A_324, %parallel_loop3A_323 : vector<16xi32>
        %parallel_loop3A_326 = arith.ori %parallel_loop3A_309, %parallel_loop3A_325 : vector<16xi32>
        %parallel_loop3A_327 = arith.ori %parallel_loop3A_310, %parallel_loop3A_317 : vector<16xi1>
        %parallel_loop3A_328 = arith.addi %parallel_loop3A_308, %parallel_loop3A_318 : vector<16xi32>
        scf.yield %parallel_loop3A_328, %parallel_loop3A_326, %parallel_loop3A_327 : vector<16xi32>, vector<16xi32>, vector<16xi1>
      } {sc.loop_unroll_factor = 8 : i64, sc.parallel_access}
      %reduce_or3A_220 = arith.constant 1.000000e+00 : f32
      %reduce_or3A_221 = arith.constant 0.000000e+00 : f32
      %reduce_or3A_222 = vector.broadcast %reduce_or3A_220 : f32 to vector<16xf32>
      %reduce_or3A_223 = vector.broadcast %reduce_or3A_221 : f32 to vector<16xf32>
      %reduce_or3A_224 = arith.select %parallel_loop3A_219#2, %reduce_or3A_222, %reduce_or3A_223 : vector<16xi1>, vector<16xf32>
      %reduce_or3A_225 = arith.constant true
      %reduce_or3A_226 = vector.broadcast %reduce_or3A_225 : i1 to vector<16xi1>
      %reduce_or3A_227 = tpu.scan <max>, %reduce_or3A_224 masked %reduce_or3A_226 : vector<16xf32>, vector<16xi1> -> vector<16xf32>
      %reduce_or3A_228 = vector.extract %reduce_or3A_227[15] : f32 from vector<16xf32>
      %reduce_or3A_229 = arith.constant 0.000000e+00 : f32
      %reduce_or3A_230 = arith.cmpf ogt, %reduce_or3A_228, %reduce_or3A_229 : f32
      %convert_element_type3A_231 = arith.extui %reduce_or3A_230 : i1 to i32
      %cond3A_232 = arith.constant 0 : i32
      %cond3A_233 = arith.constant 0 : i32
      %cond3A_234 = arith.cmpi ne, %convert_element_type3A_231, %cond3A_233 : i32
      %cond3A_235 = scf.if %cond3A_234 -> (vector<16xi32>) {
        %parallel_loop3A_307 = arith.constant 0 : i32
        %parallel_loop3A_308 = arith.constant 1024 : i32
        %parallel_loop3A_309 = arith.constant 1 : i32
        %parallel_loop3A_310:2 = scf.for %parallel_loop3A_311 = %parallel_loop3A_307 to %parallel_loop3A_308 step %parallel_loop3A_309 iter_args(%parallel_loop3A_312 = %iota3A, %parallel_loop3A_313 = %cond3A_184) -> (vector<16xi32>, vector<16xi32>)  : i32 {
          %parallel_loop3A_314 = arith.constant 16 : i32
          %parallel_loop3A_315 = arith.muli %parallel_loop3A_311, %parallel_loop3A_314 : i32
          %parallel_loop3A_316 = arith.index_cast %parallel_loop3A_315 : i32 to index
          %parallel_loop3A_317 = tpu.vector_load %arg6[%parallel_loop3A_316] {strides = array<i32>} : memref<16384xf32, #tpu.memory_space<vmem>>, vector<16xf32>,
          %parallel_loop3A_318 = arith.constant 0.000000e+00 : f32
          %parallel_loop3A_319 = vector.broadcast %parallel_loop3A_318 : f32 to vector<16xf32>
          %parallel_loop3A_320 = arith.cmpf oeq, %parallel_loop3A_317, %parallel_loop3A_319 : vector<16xf32>
          %parallel_loop3A_321 = arith.constant dense<true> : vector<16xi1>
          %parallel_loop3A_322 = arith.xori %parallel_loop3A_320, %parallel_loop3A_321 : vector<16xi1>
          %parallel_loop3A_323 = arith.select %parallel_loop3A_320, %broadcast_in_dim3A_5, %broadcast_in_dim3A_7 : vector<16xi1>, vector<16xi32>
          %parallel_loop3A_324 = arith.constant 16 : i32
          %parallel_loop3A_325 = arith.muli %parallel_loop3A_311, %parallel_loop3A_324 : i32
          %parallel_loop3A_326 = arith.addi %add3A_209, %parallel_loop3A_325 : i32
          %parallel_loop3A_327 = vector.broadcast %parallel_loop3A_326 : i32 to vector<16xi32>
          %parallel_loop3A_328 = arith.addi %parallel_loop3A_327, %iota3A : vector<16xi32>
          tpu.vector_store_idx %arg8[%parallel_loop3A_312], %parallel_loop3A_328 masked %parallel_loop3A_322 : memref<16384xi32, #tpu.memory_space<vmem>>[vector<16xi32>], vector<16xi32>, vector<16xi1>
          %parallel_loop3A_329 = tpu.vector_load_idx %arg8[%parallel_loop3A_312] masked %parallel_loop3A_322 : memref<16384xi32, #tpu.memory_space<vmem>>[vector<16xi32>], vector<16xi32>, vector<16xi1>
          %parallel_loop3A_330 = arith.xori %parallel_loop3A_329, %parallel_loop3A_328 : vector<16xi32>
          %parallel_loop3A_331 = arith.select %parallel_loop3A_320, %broadcast_in_dim3A_5, %parallel_loop3A_330 : vector<16xi1>, vector<16xi32>
          %parallel_loop3A_332 = arith.ori %parallel_loop3A_313, %parallel_loop3A_331 : vector<16xi32>
          %parallel_loop3A_333 = arith.addi %parallel_loop3A_312, %parallel_loop3A_323 : vector<16xi32>
          scf.yield %parallel_loop3A_333, %parallel_loop3A_332 : vector<16xi32>, vector<16xi32>
        } {sc.loop_unroll_factor = 8 : i64, sc.parallel_access}
        scf.yield %parallel_loop3A_310#1 : vector<16xi32>
      } else {
        scf.yield %parallel_loop3A_219#1 : vector<16xi32>
      }
      %add3A_236 = arith.constant 65536 : i32
      %add3A_237 = arith.addi %add3A_209, %add3A_236 : i32
      %min3A_238 = arith.constant 16760832 : i32
      %min3A_239 = arith.minsi %add3A_237, %min3A_238 : i32
      %add3A_240 = arith.constant 0 : i32
      %add3A_241 = arith.addi %min3A_239, %add3A_240 : i32
      %dma_start3A_242 = arith.constant 0 : i32
      %dma_start3A_243 = tpu.memref_slice %arg6[%dma_start3A_242] : memref<16384xf32, #tpu.memory_space<vmem>> -> memref<8192xf32, #tpu.memory_space<vmem>>
      %dma_start3A_244 = tpu.memref_slice %arg2[%add3A_241] : memref<16777216xf32, #tpu.memory_space<hbm>> -> memref<8192xf32, #tpu.memory_space<hbm>>
      %dma_start3A_245 = arith.constant 0 : i32
      %dma_start3A_246 = tpu.memref_slice %arg6[%dma_start3A_245] : memref<16384xf32, #tpu.memory_space<vmem>> -> memref<8192xf32, #tpu.memory_space<vmem>>
      %dma_start3A_247 = tpu.memref_slice %arg2[%add3A_241] : memref<16777216xf32, #tpu.memory_space<hbm>> -> memref<8192xf32, #tpu.memory_space<hbm>>
      tpu.enqueue_dma source(%dma_start3A_247 : memref<8192xf32, #tpu.memory_space<hbm>>) target(%dma_start3A_246 : memref<8192xf32, #tpu.memory_space<vmem>>) target_semaphore(%arg12 : memref<!tpu.dma_semaphore, #tpu.memory_space<semaphore_mem>>)
      %add3A_248 = arith.constant 8192 : i32
      %add3A_249 = arith.addi %min3A_239, %add3A_248 : i32
      %dma_start3A_250 = arith.constant 8192 : i32
      %dma_start3A_251 = tpu.memref_slice %arg6[%dma_start3A_250] : memref<16384xf32, #tpu.memory_space<vmem>> -> memref<8192xf32, #tpu.memory_space<vmem>>
      %dma_start3A_252 = tpu.memref_slice %arg2[%add3A_249] : memref<16777216xf32, #tpu.memory_space<hbm>> -> memref<8192xf32, #tpu.memory_space<hbm>>
      %dma_start3A_253 = arith.constant 8192 : i32
      %dma_start3A_254 = tpu.memref_slice %arg6[%dma_start3A_253] : memref<16384xf32, #tpu.memory_space<vmem>> -> memref<8192xf32, #tpu.memory_space<vmem>>
      %dma_start3A_255 = tpu.memref_slice %arg2[%add3A_249] : memref<16777216xf32, #tpu.memory_space<hbm>> -> memref<8192xf32, #tpu.memory_space<hbm>>
      tpu.enqueue_dma source(%dma_start3A_255 : memref<8192xf32, #tpu.memory_space<hbm>>) target(%dma_start3A_254 : memref<8192xf32, #tpu.memory_space<vmem>>) target_semaphore(%arg12 : memref<!tpu.dma_semaphore, #tpu.memory_space<semaphore_mem>>)
      %add3A_256 = arith.constant 3 : i32
      %add3A_257 = arith.addi %mul3A_107, %add3A_256 : i32
      %mul3A_258 = arith.constant 16384 : i32
      %mul3A_259 = arith.muli %add3A_257, %mul3A_258 : i32
      %add3A_260 = arith.addi %mul3A_2, %mul3A_259 : i32
      %dma_wait3A_261 = arith.constant 0 : i32
      %dma_wait3A_262 = tpu.memref_slice %arg2[%dma_wait3A_261] : memref<16777216xf32, #tpu.memory_space<hbm>> -> memref<16384xf32, #tpu.memory_space<hbm>>
      %dma_wait3A_263 = arith.constant 0 : i32
      %dma_wait3A_264 = tpu.memref_slice %arg2[%dma_wait3A_263] : memref<16777216xf32, #tpu.memory_space<hbm>> -> memref<16384xf32, #tpu.memory_space<hbm>>
      tpu.wait_dma2 semaphore(%arg13 : memref<!tpu.dma_semaphore, #tpu.memory_space<semaphore_mem>>) src(%dma_wait3A_264 : memref<16384xf32, #tpu.memory_space<hbm>>) dst(%arg7 : memref<16384xf32, #tpu.memory_space<vmem>>)
      %broadcast_in_dim3A_265 = arith.constant false
      %broadcast_in_dim3A_266 = vector.broadcast %broadcast_in_dim3A_265 : i1 to vector<16xi1>
      %parallel_loop3A_267 = arith.constant 0 : i32
      %parallel_loop3A_268 = arith.constant 1024 : i32
      %parallel_loop3A_269 = arith.constant 1 : i32
      %parallel_loop3A_270:3 = scf.for %parallel_loop3A_307 = %parallel_loop3A_267 to %parallel_loop3A_268 step %parallel_loop3A_269 iter_args(%parallel_loop3A_308 = %iota3A, %parallel_loop3A_309 = %cond3A_235, %parallel_loop3A_310 = %broadcast_in_dim3A_266) -> (vector<16xi32>, vector<16xi32>, vector<16xi1>)  : i32 {
        %parallel_loop3A_311 = arith.constant 16 : i32
        %parallel_loop3A_312 = arith.muli %parallel_loop3A_307, %parallel_loop3A_311 : i32
        %parallel_loop3A_313 = arith.index_cast %parallel_loop3A_312 : i32 to index
        %parallel_loop3A_314 = tpu.vector_load %arg7[%parallel_loop3A_313] {strides = array<i32>} : memref<16384xf32, #tpu.memory_space<vmem>>, vector<16xf32>,
        %parallel_loop3A_315 = arith.constant 0.000000e+00 : f32
        %parallel_loop3A_316 = vector.broadcast %parallel_loop3A_315 : f32 to vector<16xf32>
        %parallel_loop3A_317 = arith.cmpf oeq, %parallel_loop3A_314, %parallel_loop3A_316 : vector<16xf32>
        %parallel_loop3A_318 = arith.select %parallel_loop3A_317, %broadcast_in_dim3A_5, %broadcast_in_dim3A_7 : vector<16xi1>, vector<16xi32>
        %parallel_loop3A_319 = arith.constant 16 : i32
        %parallel_loop3A_320 = arith.muli %parallel_loop3A_307, %parallel_loop3A_319 : i32
        %parallel_loop3A_321 = arith.addi %add3A_260, %parallel_loop3A_320 : i32
        %parallel_loop3A_322 = vector.broadcast %parallel_loop3A_321 : i32 to vector<16xi32>
        %parallel_loop3A_323 = arith.addi %parallel_loop3A_322, %iota3A : vector<16xi32>
        tpu.vector_store_idx %arg8[%parallel_loop3A_308], %parallel_loop3A_323 : memref<16384xi32, #tpu.memory_space<vmem>>[vector<16xi32>], vector<16xi32>,
        %parallel_loop3A_324 = tpu.vector_load_idx %arg8[%parallel_loop3A_308] : memref<16384xi32, #tpu.memory_space<vmem>>[vector<16xi32>], vector<16xi32>,
        %parallel_loop3A_325 = arith.xori %parallel_loop3A_324, %parallel_loop3A_323 : vector<16xi32>
        %parallel_loop3A_326 = arith.ori %parallel_loop3A_309, %parallel_loop3A_325 : vector<16xi32>
        %parallel_loop3A_327 = arith.ori %parallel_loop3A_310, %parallel_loop3A_317 : vector<16xi1>
        %parallel_loop3A_328 = arith.addi %parallel_loop3A_308, %parallel_loop3A_318 : vector<16xi32>
        scf.yield %parallel_loop3A_328, %parallel_loop3A_326, %parallel_loop3A_327 : vector<16xi32>, vector<16xi32>, vector<16xi1>
      } {sc.loop_unroll_factor = 8 : i64, sc.parallel_access}
      %reduce_or3A_271 = arith.constant 1.000000e+00 : f32
      %reduce_or3A_272 = arith.constant 0.000000e+00 : f32
      %reduce_or3A_273 = vector.broadcast %reduce_or3A_271 : f32 to vector<16xf32>
      %reduce_or3A_274 = vector.broadcast %reduce_or3A_272 : f32 to vector<16xf32>
      %reduce_or3A_275 = arith.select %parallel_loop3A_270#2, %reduce_or3A_273, %reduce_or3A_274 : vector<16xi1>, vector<16xf32>
      %reduce_or3A_276 = arith.constant true
      %reduce_or3A_277 = vector.broadcast %reduce_or3A_276 : i1 to vector<16xi1>
      %reduce_or3A_278 = tpu.scan <max>, %reduce_or3A_275 masked %reduce_or3A_277 : vector<16xf32>, vector<16xi1> -> vector<16xf32>
      %reduce_or3A_279 = vector.extract %reduce_or3A_278[15] : f32 from vector<16xf32>
      %reduce_or3A_280 = arith.constant 0.000000e+00 : f32
      %reduce_or3A_281 = arith.cmpf ogt, %reduce_or3A_279, %reduce_or3A_280 : f32
      %convert_element_type3A_282 = arith.extui %reduce_or3A_281 : i1 to i32
      %cond3A_283 = arith.constant 0 : i32
      %cond3A_284 = arith.constant 0 : i32
      %cond3A_285 = arith.cmpi ne, %convert_element_type3A_282, %cond3A_284 : i32
      %cond3A_286 = scf.if %cond3A_285 -> (vector<16xi32>) {
        %parallel_loop3A_307 = arith.constant 0 : i32
        %parallel_loop3A_308 = arith.constant 1024 : i32
        %parallel_loop3A_309 = arith.constant 1 : i32
        %parallel_loop3A_310:2 = scf.for %parallel_loop3A_311 = %parallel_loop3A_307 to %parallel_loop3A_308 step %parallel_loop3A_309 iter_args(%parallel_loop3A_312 = %iota3A, %parallel_loop3A_313 = %cond3A_235) -> (vector<16xi32>, vector<16xi32>)  : i32 {
          %parallel_loop3A_314 = arith.constant 16 : i32
          %parallel_loop3A_315 = arith.muli %parallel_loop3A_311, %parallel_loop3A_314 : i32
          %parallel_loop3A_316 = arith.index_cast %parallel_loop3A_315 : i32 to index
          %parallel_loop3A_317 = tpu.vector_load %arg7[%parallel_loop3A_316] {strides = array<i32>} : memref<16384xf32, #tpu.memory_space<vmem>>, vector<16xf32>,
          %parallel_loop3A_318 = arith.constant 0.000000e+00 : f32
          %parallel_loop3A_319 = vector.broadcast %parallel_loop3A_318 : f32 to vector<16xf32>
          %parallel_loop3A_320 = arith.cmpf oeq, %parallel_loop3A_317, %parallel_loop3A_319 : vector<16xf32>
          %parallel_loop3A_321 = arith.constant dense<true> : vector<16xi1>
          %parallel_loop3A_322 = arith.xori %parallel_loop3A_320, %parallel_loop3A_321 : vector<16xi1>
          %parallel_loop3A_323 = arith.select %parallel_loop3A_320, %broadcast_in_dim3A_5, %broadcast_in_dim3A_7 : vector<16xi1>, vector<16xi32>
          %parallel_loop3A_324 = arith.constant 16 : i32
          %parallel_loop3A_325 = arith.muli %parallel_loop3A_311, %parallel_loop3A_324 : i32
          %parallel_loop3A_326 = arith.addi %add3A_260, %parallel_loop3A_325 : i32
          %parallel_loop3A_327 = vector.broadcast %parallel_loop3A_326 : i32 to vector<16xi32>
          %parallel_loop3A_328 = arith.addi %parallel_loop3A_327, %iota3A : vector<16xi32>
          tpu.vector_store_idx %arg8[%parallel_loop3A_312], %parallel_loop3A_328 masked %parallel_loop3A_322 : memref<16384xi32, #tpu.memory_space<vmem>>[vector<16xi32>], vector<16xi32>, vector<16xi1>
          %parallel_loop3A_329 = tpu.vector_load_idx %arg8[%parallel_loop3A_312] masked %parallel_loop3A_322 : memref<16384xi32, #tpu.memory_space<vmem>>[vector<16xi32>], vector<16xi32>, vector<16xi1>
          %parallel_loop3A_330 = arith.xori %parallel_loop3A_329, %parallel_loop3A_328 : vector<16xi32>
          %parallel_loop3A_331 = arith.select %parallel_loop3A_320, %broadcast_in_dim3A_5, %parallel_loop3A_330 : vector<16xi1>, vector<16xi32>
          %parallel_loop3A_332 = arith.ori %parallel_loop3A_313, %parallel_loop3A_331 : vector<16xi32>
          %parallel_loop3A_333 = arith.addi %parallel_loop3A_312, %parallel_loop3A_323 : vector<16xi32>
          scf.yield %parallel_loop3A_333, %parallel_loop3A_332 : vector<16xi32>, vector<16xi32>
        } {sc.loop_unroll_factor = 8 : i64, sc.parallel_access}
        scf.yield %parallel_loop3A_310#1 : vector<16xi32>
      } else {
        scf.yield %parallel_loop3A_270#1 : vector<16xi32>
      }
      %add3A_287 = arith.constant 65536 : i32
      %add3A_288 = arith.addi %add3A_260, %add3A_287 : i32
      %min3A_289 = arith.constant 16760832 : i32
      %min3A_290 = arith.minsi %add3A_288, %min3A_289 : i32
      %add3A_291 = arith.constant 0 : i32
      %add3A_292 = arith.addi %min3A_290, %add3A_291 : i32
      %dma_start3A_293 = arith.constant 0 : i32
      %dma_start3A_294 = tpu.memref_slice %arg7[%dma_start3A_293] : memref<16384xf32, #tpu.memory_space<vmem>> -> memref<8192xf32, #tpu.memory_space<vmem>>
      %dma_start3A_295 = tpu.memref_slice %arg2[%add3A_292] : memref<16777216xf32, #tpu.memory_space<hbm>> -> memref<8192xf32, #tpu.memory_space<hbm>>
      %dma_start3A_296 = arith.constant 0 : i32
      %dma_start3A_297 = tpu.memref_slice %arg7[%dma_start3A_296] : memref<16384xf32, #tpu.memory_space<vmem>> -> memref<8192xf32, #tpu.memory_space<vmem>>
      %dma_start3A_298 = tpu.memref_slice %arg2[%add3A_292] : memref<16777216xf32, #tpu.memory_space<hbm>> -> memref<8192xf32, #tpu.memory_space<hbm>>
      tpu.enqueue_dma source(%dma_start3A_298 : memref<8192xf32, #tpu.memory_space<hbm>>) target(%dma_start3A_297 : memref<8192xf32, #tpu.memory_space<vmem>>) target_semaphore(%arg13 : memref<!tpu.dma_semaphore, #tpu.memory_space<semaphore_mem>>)
      %add3A_299 = arith.constant 8192 : i32
      %add3A_300 = arith.addi %min3A_290, %add3A_299 : i32
      %dma_start3A_301 = arith.constant 8192 : i32
      %dma_start3A_302 = tpu.memref_slice %arg7[%dma_start3A_301] : memref<16384xf32, #tpu.memory_space<vmem>> -> memref<8192xf32, #tpu.memory_space<vmem>>
      %dma_start3A_303 = tpu.memref_slice %arg2[%add3A_300] : memref<16777216xf32, #tpu.memory_space<hbm>> -> memref<8192xf32, #tpu.memory_space<hbm>>
      %dma_start3A_304 = arith.constant 8192 : i32
      %dma_start3A_305 = tpu.memref_slice %arg7[%dma_start3A_304] : memref<16384xf32, #tpu.memory_space<vmem>> -> memref<8192xf32, #tpu.memory_space<vmem>>
      %dma_start3A_306 = tpu.memref_slice %arg2[%add3A_300] : memref<16777216xf32, #tpu.memory_space<hbm>> -> memref<8192xf32, #tpu.memory_space<hbm>>
      tpu.enqueue_dma source(%dma_start3A_306 : memref<8192xf32, #tpu.memory_space<hbm>>) target(%dma_start3A_305 : memref<8192xf32, #tpu.memory_space<vmem>>) target_semaphore(%arg13 : memref<!tpu.dma_semaphore, #tpu.memory_space<semaphore_mem>>)
      scf.yield %cond3A_286 : vector<16xi32>
    }
    %scan3A_83 = arith.constant 8 : i32
    %dma_wait3A = arith.constant 0 : i32
    %dma_wait3A_84 = tpu.memref_slice %arg2[%dma_wait3A] : memref<16777216xf32, #tpu.memory_space<hbm>> -> memref<16384xf32, #tpu.memory_space<hbm>>
    %dma_wait3A_85 = arith.constant 0 : i32
    %dma_wait3A_86 = tpu.memref_slice %arg2[%dma_wait3A_85] : memref<16777216xf32, #tpu.memory_space<hbm>> -> memref<16384xf32, #tpu.memory_space<hbm>>
    tpu.wait_dma2 semaphore(%arg10 : memref<!tpu.dma_semaphore, #tpu.memory_space<semaphore_mem>>) src(%dma_wait3A_86 : memref<16384xf32, #tpu.memory_space<hbm>>) dst(%arg4 : memref<16384xf32, #tpu.memory_space<vmem>>)
    %dma_wait3A_87 = arith.constant 0 : i32
    %dma_wait3A_88 = tpu.memref_slice %arg2[%dma_wait3A_87] : memref<16777216xf32, #tpu.memory_space<hbm>> -> memref<16384xf32, #tpu.memory_space<hbm>>
    %dma_wait3A_89 = arith.constant 0 : i32
    %dma_wait3A_90 = tpu.memref_slice %arg2[%dma_wait3A_89] : memref<16777216xf32, #tpu.memory_space<hbm>> -> memref<16384xf32, #tpu.memory_space<hbm>>
    tpu.wait_dma2 semaphore(%arg11 : memref<!tpu.dma_semaphore, #tpu.memory_space<semaphore_mem>>) src(%dma_wait3A_90 : memref<16384xf32, #tpu.memory_space<hbm>>) dst(%arg5 : memref<16384xf32, #tpu.memory_space<vmem>>)
    %dma_wait3A_91 = arith.constant 0 : i32
    %dma_wait3A_92 = tpu.memref_slice %arg2[%dma_wait3A_91] : memref<16777216xf32, #tpu.memory_space<hbm>> -> memref<16384xf32, #tpu.memory_space<hbm>>
    %dma_wait3A_93 = arith.constant 0 : i32
    %dma_wait3A_94 = tpu.memref_slice %arg2[%dma_wait3A_93] : memref<16777216xf32, #tpu.memory_space<hbm>> -> memref<16384xf32, #tpu.memory_space<hbm>>
    tpu.wait_dma2 semaphore(%arg12 : memref<!tpu.dma_semaphore, #tpu.memory_space<semaphore_mem>>) src(%dma_wait3A_94 : memref<16384xf32, #tpu.memory_space<hbm>>) dst(%arg6 : memref<16384xf32, #tpu.memory_space<vmem>>)
    %dma_wait3A_95 = arith.constant 0 : i32
    %dma_wait3A_96 = tpu.memref_slice %arg2[%dma_wait3A_95] : memref<16777216xf32, #tpu.memory_space<hbm>> -> memref<16384xf32, #tpu.memory_space<hbm>>
    %dma_wait3A_97 = arith.constant 0 : i32
    %dma_wait3A_98 = tpu.memref_slice %arg2[%dma_wait3A_97] : memref<16777216xf32, #tpu.memory_space<hbm>> -> memref<16384xf32, #tpu.memory_space<hbm>>
    tpu.wait_dma2 semaphore(%arg13 : memref<!tpu.dma_semaphore, #tpu.memory_space<semaphore_mem>>) src(%dma_wait3A_98 : memref<16384xf32, #tpu.memory_space<hbm>>) dst(%arg7 : memref<16384xf32, #tpu.memory_space<vmem>>)
    %eq3A = arith.constant 0 : i32
    %eq3A_99 = vector.broadcast %eq3A : i32 to vector<16xi32>
    %eq3A_100 = arith.cmpi eq, %scan3A_82, %eq3A_99 : vector<16xi32>
    %select_n3A = arith.select %eq3A_100, %broadcast_in_dim3A_3, %broadcast_in_dim3A_5 : vector<16xi1>, vector<16xi32>
    %swap3A = arith.constant 0 : index
    %swap3A_101 = tpu.vector_load %arg9[%swap3A] {strides = array<i32>} : memref<16xi32, #tpu.memory_space<vmem>>, vector<16xi32>,
    tpu.vector_store %arg9[%swap3A], %select_n3A {strides = array<i32>} : memref<16xi32, #tpu.memory_space<vmem>>, vector<16xi32>,
    %mul3A_102 = arith.constant 16 : i32
    %mul3A_103 = arith.muli %add3A, %mul3A_102 : i32
    "tpu.region"() ({
      %run_scoped3A = tpu.sem_alloc : memref<!tpu.dma_semaphore, #tpu.memory_space<semaphore_mem>>
      %dma_start3A_104 = tpu.memref_slice %arg3[%mul3A_103] : memref<512xi32, #tpu.memory_space<hbm>> -> memref<16xi32, #tpu.memory_space<hbm>>
      %dma_start3A_105 = tpu.memref_slice %arg3[%mul3A_103] : memref<512xi32, #tpu.memory_space<hbm>> -> memref<16xi32, #tpu.memory_space<hbm>>
      tpu.enqueue_dma source(%arg9 : memref<16xi32, #tpu.memory_space<vmem>>) target(%dma_start3A_105 : memref<16xi32, #tpu.memory_space<hbm>>) target_semaphore(%run_scoped3A : memref<!tpu.dma_semaphore, #tpu.memory_space<semaphore_mem>>)
      %dma_wait3A_106 = tpu.memref_slice %arg3[%mul3A_103] : memref<512xi32, #tpu.memory_space<hbm>> -> memref<16xi32, #tpu.memory_space<hbm>>
      %dma_wait3A_107 = tpu.memref_slice %arg3[%mul3A_103] : memref<512xi32, #tpu.memory_space<hbm>> -> memref<16xi32, #tpu.memory_space<hbm>>
      tpu.wait_dma2 semaphore(%run_scoped3A : memref<!tpu.dma_semaphore, #tpu.memory_space<semaphore_mem>>) src(%arg9 : memref<16xi32, #tpu.memory_space<vmem>>) dst(%dma_wait3A_107 : memref<16xi32, #tpu.memory_space<hbm>>)
      tpu.yield
    }) : () -> ()
    return
  }
}

</mosaic_0001>

<sc_bundles>
// kernel: kernel.3.cloned.1.call-start
scs
__scs_entry_jumppad:
0x0: {  	(pc) =	sbr.rel $0x88, $3  }
0x1: {  	(tag) =	ssettag $0x0;
	lr =	simm.s32 $0x1  }
0x2: {  	[smem:$0x3FA0] =	sst lr;
	_ =	strace $0xD0000000  }
0x3: {  	_ = 	snop  }
0x4: {  	_ = 	snop  }
0x5: {  	_ = 	snop  }
0x6: {  	_ = 	snop  }
0x7: {  	_ = 	snop  }
__scs_overlays_trampoline_lowered:
0x8: {  	[smem:$0x3FAF] =	sst s0  }
0x9: {  	[smem:$0x3FB0] =	sst s1  }
0xa: {  	[smem:$0x3FB1] =	sst s2  }
0xb: {  	[smem:$0x3FB2] =	sst s3  }
0xc: {  	[smem:$0x3FB3] =	sst s4  }
0xd: {  	[smem:$0x3FB4] =	sst s5  }
0xe: {  	[smem:$0x3FB5] =	sst s6  }
0xf: {  	[smem:$0x3FB6] =	sst s7  }
0x10: {  	[smem:$0x3FB7] =	sst s8  }
0x11: {  	[smem:$0x3FB8] =	sst s9;
	s0 =	simm.s32 @!p0 $0x0  }
0x12: {  	s1 =	sld [smem:$0x3F9E];
	s0 =	simm.s32 @p0 $0x1  }
0x13: {  	[smem:$0x3FB9] =	sst s0;
	s0 =	simm.s32 @!p1 $0x0  }
0x14: {  	s2 =	sld [smem:$0x3F9D];
	s0 =	simm.s32 @p1 $0x1  }
0x15: {  	[smem:$0x3FBA] =	sst s0;
	s0 =	simm.s32 @!p2 $0x0  }
0x16: {  	s3 =	sld [smem:$0x3FDB];
	s0 =	simm.s32 @p2 $0x1  }
0x17: {  	s4 =	simm.s32 $0x1BF5;
	[smem:$0x3FBC] =	sst s0  }
0x18: {  	s0 =	sld [smem:$0x3F9F];
	_ =	swait.ge [sflag:s4], $0x0  }
0x19: {  	s7 =	sld [smem:$0x3FA0]  }
0x1a: {  	s8 =	sadd.s32 $0xFFFFE003, lr  }
0x1b: {  	s9 =	sadd.s32 $0xFFFFFEF7, lr;
	s5 =	simm.s32 $0xFFFFFFFF;
	p2 =	slt.u32 s8, $0xFFFFF086  }
0x1c: {  	p1 =	slt.u32 s9, $0xF7A;
	s5 =	simm.s32 @!p2 $0x0  }
0x1d: {  	s5 =	simm.s32 @p1 $0x1;
	p0 =	seq.s32 s7, s2  }
0x1e: {  	s7 =	smul.u32 @!p0 $0xF7A, s2;
	p2 =	seq.s32 @!p0 s5, $0x0  }
0x1f: {  	s9 =	smul.u32 $0xF7A, s1;
	s8 =	simm.s32 @!p0 $0x1BF5;
	p2 =	por !p2, p0  }
0x20: {  	[sflag:s8] =	ssyncset.s32 @!p0 $0xFFFFF086;
	s6 =	sadd.s32 @!p0 s3, s7;
	s7 =	simm.s32 @!p0 $0x108  }
0x21: {  	s3 =	sadd.s32 s3, s9;
	s6 =	sadd.s32 @!p0 $0x88, s6;
	s7 =	simm.s32 @p2 $0x1082  }
0x22: {  	[simem:s7], [sflag:s8] =	dma.local @!p0 [hbm:s6], $0xF7A  }
0x23: {  	s9 =	sor.u32 $0xD0000000, s2;
	s6 =	simm.s32 $0x108;
	_ =	swait.ge @!p0 [sflag:s8], $0x0  }
0x24: {  	s3 =	sadd.s32 $0x88, s3;
	s6 =	simm.s32 @!p1 $0x1082;
	[sflag:s4] =	ssyncset.s32 $0xFFFFF086  }
0x25: {  	[simem:s6], [sflag:s4] =	dma.local [hbm:s3], $0xF7A  }
0x26: {  	[smem:$0x3FA0] =	sst s1;
	(tag) =	ssettag s2;
	_ =	strace s9  }
0x27: {  	s1 =	sld [smem:$0x3FB0]  }
0x28: {  	s2 =	sld [smem:$0x3FB1]  }
0x29: {  	s4 =	sld [smem:$0x3FB3]  }
0x2a: {  	p0 =	seq.s32 s5, $0x0;
	s5 =	sld [smem:$0x3FB4]  }
0x2b: {  	s6 =	sld [smem:$0x3FB5]  }
0x2c: {  	s7 =	sld [smem:$0x3FB6]  }
0x2d: {  	s3 =	simm.s32 $0x108;
	s8 =	sld [smem:$0x3FB7]  }
0x2e: {  	s3 =	simm.s32 @!p0 $0x1082;
	s9 =	sld [smem:$0x3FB8]  }
0x2f: {  	lr =	sadd.s32 s0, s3;
	s0 =	sld [smem:$0x3FAF]  }
0x30: {  	s3 =	sld [smem:$0x3FB2]  }
0x31: {  	[smem:$0x3FBB] =	sst s10  }
0x32: {  	s10 =	sld [smem:$0x3FB9];
	_ =	sdelay $0x3  }
0x33: {  	p0 =	seq.s32 s10, $0x1;
	s10 =	sld [smem:$0x3FBB];
	_ =	sdelay $0x3  }
0x34: {  	[smem:$0x3FBB] =	sst s10  }
0x35: {  	s10 =	sld [smem:$0x3FBA];
	_ =	sdelay $0x3  }
0x36: {  	p1 =	seq.s32 s10, $0x1;
	s10 =	sld [smem:$0x3FBB];
	_ =	sdelay $0x3  }
0x37: {  	[smem:$0x3FBB] =	sst s10  }
0x38: {  	s10 =	sld [smem:$0x3FBC]  }
0x39: {  	_ = 	snop;
	(pc) =	sbr.ind lr, $3  }
0x3a: {  	_ = 	snop  }
0x3b: {  	_ = 	snop  }
0x3c: {  	p2 =	seq.s32 s10, $0x1;
	s10 =	sld [smem:$0x3FBB]  }
0x3d: {  	_ =	shalt  }
0x3e: {  	_ =	shalt  }
0x3f: {  	_ =	shalt  }
0x40: {  	_ =	shalt  }
0x41: {  	_ =	shalt  }
0x42: {  	_ =	shalt  }
0x43: {  	_ =	shalt  }
0x44: {  	_ =	shalt  }
0x45: {  	_ =	shalt  }
0x46: {  	_ =	shalt  }
0x47: {  	_ =	shalt  }
0x48: {  	_ =	shalt  }
0x49: {  	_ =	shalt  }
0x4a: {  	_ =	shalt  }
0x4b: {  	_ =	shalt  }
0x4c: {  	_ =	shalt  }
0x4d: {  	_ =	shalt  }
0x4e: {  	_ =	shalt  }
0x4f: {  	_ =	shalt  }
0x50: {  	_ =	shalt  }
0x51: {  	_ =	shalt  }
0x52: {  	_ =	shalt  }
0x53: {  	_ =	shalt  }
0x54: {  	_ =	shalt  }
0x55: {  	_ =	shalt  }
0x56: {  	_ =	shalt  }
0x57: {  	_ =	shalt  }
0x58: {  	_ =	shalt  }
0x59: {  	_ =	shalt  }
0x5a: {  	_ =	shalt  }
0x5b: {  	_ =	shalt  }
0x5c: {  	_ =	shalt  }
0x5d: {  	_ =	shalt  }
0x5e: {  	_ =	shalt  }
0x5f: {  	_ =	shalt  }
0x60: {  	_ =	shalt  }
0x61: {  	_ =	shalt  }
0x62: {  	_ =	shalt  }
0x63: {  	_ =	shalt  }
0x64: {  	_ =	shalt  }
0x65: {  	_ =	shalt  }
0x66: {  	_ =	shalt  }
0x67: {  	_ =	shalt  }
0x68: {  	_ =	shalt  }
0x69: {  	_ =	shalt  }
0x6a: {  	_ =	shalt  }
0x6b: {  	_ =	shalt  }
0x6c: {  	_ =	shalt  }
0x6d: {  	_ =	shalt  }
0x6e: {  	_ =	shalt  }
0x6f: {  	_ =	shalt  }
0x70: {  	_ =	shalt  }
0x71: {  	_ =	shalt  }
0x72: {  	_ =	shalt  }
0x73: {  	_ =	shalt  }
0x74: {  	_ =	shalt  }
0x75: {  	_ =	shalt  }
0x76: {  	_ =	shalt  }
0x77: {  	_ =	shalt  }
0x78: {  	_ =	shalt  }
0x79: {  	_ =	shalt  }
0x7a: {  	_ =	shalt  }
0x7b: {  	_ =	shalt  }
0x7c: {  	_ =	shalt  }
0x7d: {  	_ =	shalt  }
0x7e: {  	_ =	shalt  }
0x7f: {  	_ =	shalt  }
0x80: {  	_ =	shalt  }
0x81: {  	_ =	shalt  }
0x82: {  	_ =	shalt  }
0x83: {  	_ =	shalt  }
0x84: {  	_ =	shalt  }
0x85: {  	_ =	shalt  }
0x86: {  	_ =	shalt  }
0x87: {  	_ =	shalt  }
.Lfunc_end0:
.L_simem_size_0:
called_computation_lowered:
.L_overlay_start_0:
0x88: {  	s2 =	sld [smem:$0x3FD9]  }
0x89: {  	s3 =	sld [smem:$0x3FFE];
	_ =	sdelay $0x1  }
0x8a: {  	s1 =	srdreg.scid  }
0x8b: {  	s0 =	sand.u32 $0x1, s1  }
0x8c: {  	s17 =	sshll.u32 s0, $0xA;
	s2 =	sadd.s32 s3, s2  }
0x8d: {  	s2 =	sadd.s32 s2, s17  }
0x8e: {  	[smem:$0x3FC7] =	sst s2  }
0x8f: {  	_ = 	snop  }
0x90: {  	s2 =	sld [smem:$0x3FC9];
	(tm) =	ssettm $0x1  }
0x91: {  	s18 =	sld [smem:$0x3FFB];
	_ =	sdelay $0x3  }
0x92: {  	_ =	strace s18  }
0x93: {  	s3 =	sld [smem:$0x3FFC];
	_ =	sdelay $0x3  }
0x94: {  	_ =	strace s3  }
0x95: {  	s3 =	sld [smem:$0x3FFD];
	_ =	sdelay $0x3  }
0x96: {  	_ =	strace s3  }
0x97: {  	_ =	strace $0x8FFFFFFF  }
0x98: {  	s19 =	sld [smem:$0x3FDB];
	_ =	sdelay $0x1  }
0x99: {  	s4 =	simm.s32 $_scs_section_size  }
0x9a: {  	s5 =	simm.s32 $_size__tile_overlayer_lowered;
	s6 =	simm.s32 $_tile_overlayer_lowered  }
0x9b: {  	s22 =	simm.s32 $0x1BFF;
	s21 =	sshll.u32 s6, $0x1;
	s3 =	sadd.s32 s4, s19  }
0x9c: {  	s7 =	simm.s32 $0x0;
	s20 =	sshll.u32 s5, $0x1;
	s5 =	sadd.s32 s21, s3  }
0x9d: {  	[timem:s7], [sflag:s22] =	dma.local [hbm:s5], s20  }
0x9e: {  	_ =	swait.ge [sflag:s22], s20  }
0x9f: {  	s4 =	ssub.s32 $0x0, s20;
	[sflag:s22] =	ssyncset.done $0x0  }
0xa0: {  	[sflag:s22] =	ssyncadd.s32 s4;
	_ =	sdelay $0x1  }
0xa1: {  	s23 =	simm.s32 $0x1B8B  }
0xa2: {  	_ =	swait.ge [sflag:s23], $0x1  }
0xa3: {  	[sflag:s23] =	ssyncset.done $0x0  }
0xa4: {  	s25 =	simm.s32 $0x1B8E;
	s24 =	sld [smem:$0x3FFE];
	[sflag:s23] =	ssyncadd.s32 $0xFFFFFFFF  }
0xa5: {  	s26 =	simm.s32 $execute0_lowered;
	[smem:$0x3FD2] =	sst s25  }
0xa6: {  	s5 =	sshll.u32 s26, $0x1;
	_ =	strace $0x80000046;
	[dreg:$0x1] =	wrdreg $0xFFFFFFFF  }
0xa7: {  	s28 =	simm.s32 $_size_execute0_lowered;
	s3 =	sadd.s32 s3, s5;
	[dreg:$0x0] =	wrdreg $0x0  }
0xa8: {  	s5 =	sshll.u32 s28, $0x1;
	[dreg:$0x2] =	wrdreg s3  }
0xa9: {  	[dreg:$0x3] =	wrdreg s5  }
0xaa: {  	[dreg:$0x4] =	wrdreg $0xC0  }
0xab: {  	_ =	task [dreg:s7], $0x5FFFF  }
0xac: {  	[dreg:$0x1] =	wrdreg $0xFFFFFFFF  }
0xad: {  	[dreg:$0x0] =	wrdreg $0x60  }
0xae: {  	[dreg:$0x2] =	wrdreg s2  }
0xaf: {  	[dreg:$0x3] =	wrdreg s24  }
0xb0: {  	[dreg:$0x4] =	wrdreg $0x9  }
0xb1: {  	_ =	task.clear_ibuf [dreg:s7], $0x5FFFF;
	_ =	strace $0x90000046  }
0xb2: {  	s29 =	simm.s32 $0x9;
	_ =	strace $0x80000048  }
0xb3: {  	_ =	swait.ge [sflag:s29], $0x1  }
0xb4: {  	[sflag:s29] =	ssyncadd.s32 $0xFFFFFFFF  }
0xb5: {  	_ =	strace $0x90000048  }
0xb6: {  	_ =	sfence  }
0xb7: {  	s30 =	sld [smem:$0x0];
	_ =	sdelay $0x2  }
0xb8: {  	s31 =	sshll.u32 s1, $0xD;
	s1 =	sshrl.u32 s1, $0x2  }
0xb9: {  	s3 =	sand.u32 $0x4000, s31;
	s1 =	sadd.s32 s1, s30  }
0xba: {  	s0 =	sor.u32 s3, s0;
	s1 =	sshll.u32 s1, $0x11  }
0xbb: {  	s0 =	sor.u32 s1, s0  }
0xbc: {  	s0 =	sadd.s32 $0x8F2B, s0  }
0xbd: {  	[sflag:s0] =	ssyncadd.remote.s32 $0x1  }
0xbe: {  	_ =	sfence.sel $0xFFFF  }
0xbf: {  	[dreg:$0x0] =	wrdreg $0xFFFFFFFF;
	(pc) =	sbr.abs _section_cstart, $3  }
0xc0: {  	[dreg:$0x1] =	wrdreg $0xFFFFFFFF  }
0xc1: {  	_ =	task.clear_ibuf [dreg:s7], $0x2FFFF;
	_ =	strace $0x9FFFFFFF  }
0xc2: {  	(tm) =	ssettm $0x7FFFFFFF  }
0xc3: {  	_ =	shalt  }
tec
execute0_lowered:
.L_overlay_start_1:
0x0: {  	(tag) =	ssettag $0x1  }
0x1: {  	s2 =	rddreg [dreg:$0x0]  }
0x2: {  	s0 =	rddreg [dreg:$0x1]  }
0x3: {  	s1 =	srdreg.scid;
	s9 =	stileid.u32  }
0x4: {  	s3 =	simm.s32 $0x0;
	s1 =	sand.u32 $0x1, s1;
	s4 =	sshll.u32 s9, $0x1  }
0x5: {  	s28 =	simm.s32 $0x1;
	s20 =	sshll.u32 s9, $0x14;
	s4 =	sor.u32 s1, s4  }
0x6: {  	s5 =	ssub.s32 $0x2, s1;
	s1 =	sshll.u32 s1, $0x13;
	s7 =	sshll.u32 s4, $0x10  }
0x7: {  	[smem:$0x7FF] =	sst s3;
	s1 =	sor.u32 s1, s20;
	s10 =	sadd.s32 s2, s7  }
0x8: {  	_ =	strace $0x80000047;
	s23 =	sor.u32 $0x70, s1;
	[dreg:$0x3] =	wrdreg s10  }
0x9: {  	s6 =	sshrl.u32 s5, $0x1;
	s24 =	sor.u32 $0x4070, s1;
	[dreg:$0xd] =	wrdreg s23  }
0xa: {  	s8 =	ssub.s32 s5, s6;
	s25 =	sor.u32 $0x8070, s1;
	[dreg:$0xe] =	wrdreg s24  }
0xb: {  	s5 =	sadd.s32 $0x400, s2;
	s26 =	sor.u32 $0xC070, s1;
	[dreg:$0xf] =	wrdreg s25  }
0xc: {  	s29 =	simm.s32 $0x10000;
	s7 =	sadd.s32 s7, s5;
	[dreg:$0x10] =	wrdreg s26  }
0xd: {  	s30 =	simm.s32 $0x2;
	s15 =	sadd.s32 $0x800, s10;
	[dreg:$0x4] =	wrdreg s7  }
0xe: {  	s31 =	simm.s32 $0x3;
	s16 =	sadd.s32 $0xC00, s10;
	[dreg:$0x5] =	wrdreg s15  }
0xf: {  	s6 =	sshll.u32 s4, $0x13;
	s17 =	sadd.s32 $0x1000, s10;
	[dreg:$0x6] =	wrdreg s16  }
0x10: {  	s4 =	sshll.u32 s4, $0x1;
	s18 =	sadd.s32 $0x1400, s10;
	[dreg:$0x7] =	wrdreg s17  }
0x11: {  	s19 =	sadd.s32 $0x1800, s10;
	s21 =	sadd.s32 $0x1C00, s10;
	[dreg:$0x8] =	wrdreg s18  }
.Ltmp0:
0x12: {  	s0 =	sadd.s32 s0, s4;
	[dreg:$0x9] =	wrdreg s19;
	(pc) =	sbr.rel .LBB2_1-.Ltmp0, $4  }
0x13: {  	s22 =	smax.u32 s8, $0x1;
	s23 =	simm.s32 $0x8000;
	[dreg:$0xa] =	wrdreg s21  }
0x14: {  	s24 =	simm.s32 $0xA000;
	s25 =	simm.s32 $0xC000;
	[dreg:$0xb] =	wrdreg s0  }
0x15: {  	vm0 =	vmxor vm0, vm0;
	v0 =	vimm.s32 $0x10;
	s26 =	simm.s32 $0xE000;
	[dreg:$0xc] =	wrdreg s22;
	s21 =	simm.s32 $0x4000  }
0x16: {  	v1 =	vlaneseq.u32;
	v2 =	vimm.f32 $0.0e+00;
	v3 =	vimm.s32 $0x0;
	s22 =	simm.s32 $0x6000;
	s0 =	simm.s32 $0x4;
	s7 =	simm.s32 $0x0  }
.LBB2_27:
0x17: {  	_ =	swait.ge [sflag:s28], $0x4000  }
0x18: {  	[sflag:s28] =	ssyncset.done $0x0  }
0x19: {  	[sflag:s28] =	ssyncadd.s32 $0xFFFFC000  }
0x1a: {  	_ =	swait.ge [sflag:s30], $0x4000  }
0x1b: {  	[sflag:s30] =	ssyncset.done $0x0  }
0x1c: {  	[sflag:s30] =	ssyncadd.s32 $0xFFFFC000  }
0x1d: {  	_ =	swait.ge [sflag:s31], $0x4000  }
0x1e: {  	[sflag:s31] =	ssyncset.done $0x0  }
0x1f: {  	[sflag:s31] =	ssyncadd.s32 $0xFFFFC000  }
0x20: {  	_ =	swait.ge [sflag:s0], $0x4000  }
0x21: {  	vm1 =	veq.s32 v6, $0x0;
	[sflag:s0] =	ssyncset.done $0x0  }
0x22: {  	v4 =	vsel vm1, $0x1, v3;
	[sflag:s0] =	ssyncadd.s32 $0xFFFFC000  }
0x23: {  	s4 =	simm.s32 $0x14000;
	s19 =	simm.s32 $0x5;
	s1 =	rddreg [dreg:$0xb];
	[tilespmem:$0x14000] =	vst v4  }
0x24: {  	[hbm4b:s1+s3] =	stream.linear.scatter [tilespmem:s4], [sflag:$0x5], $0x10, $0x38;
	[tilespmem:$0x14080] =	vst v63  }
0x25: {  	_ =	swait.ge [sflag:s19], $0x10  }
0x26: {  	s7 =	rddreg [dreg:$0x11]  }
0x27: {  	s20 =	rddreg [dreg:$0xc];
	s7 =	sadd.s32 $0x1, s7  }
0x28: {  	p0 =	sne.s32 s7, s20  }
.Ltmp1:
0x29: {  	_ = 	snop;
	(pc) =	sbr.rel @!p0 .LBB2_28-.Ltmp1, $3  }
0x2a: {  	_ =	sdelay $0x1  }
0x2b: {  	[sflag:s19] =	ssyncset.done $0x0  }
0x2c: {  	[sflag:s19] =	ssyncadd.s32 $0xFFFFFFF0  }
.LBB2_1:
0x2d: {  	[dreg:$0x11] =	wrdreg s7  }
0x2e: {  	s1 =	rddreg [dreg:$0x3]  }
0x2f: {  	s14 =	rddreg [dreg:$0x4]  }
0x30: {  	s15 =	rddreg [dreg:$0x5]  }
0x31: {  	s16 =	rddreg [dreg:$0x6]  }
0x32: {  	[tilespmem:s3], [sflag:$0x1] =	stream.linear.gather [hbm4b:s1+s3], $0x2000, $0x38;
	[tilespmem:$0x14080] =	vst v63  }
0x33: {  	s4 =	simm.s32 $0x2000;
	s17 =	rddreg [dreg:$0x7]  }
0x34: {  	[tilespmem:s4], [sflag:$0x1] =	stream.linear.gather [hbm4b:s14+s3], $0x2000, $0x38;
	[tilespmem:$0x14080] =	vst v63  }
0x35: {  	s18 =	rddreg [dreg:$0x8]  }
0x36: {  	[tilespmem:s21], [sflag:$0x2] =	stream.linear.gather [hbm4b:s15+s3], $0x2000, $0x38;
	[tilespmem:$0x14080] =	vst v63  }
0x37: {  	s19 =	rddreg [dreg:$0x9]  }
0x38: {  	[tilespmem:s22], [sflag:$0x2] =	stream.linear.gather [hbm4b:s16+s3], $0x2000, $0x38;
	[tilespmem:$0x14080] =	vst v63  }
0x39: {  	s20 =	rddreg [dreg:$0xa]  }
0x3a: {  	[tilespmem:s23], [sflag:$0x3] =	stream.linear.gather [hbm4b:s17+s3], $0x2000, $0x38;
	[tilespmem:$0x14080] =	vst v63  }
0x3b: {  	s16 =	rddreg [dreg:$0xd]  }
0x3c: {  	[tilespmem:s24], [sflag:$0x3] =	stream.linear.gather [hbm4b:s18+s3], $0x2000, $0x38;
	[tilespmem:$0x14080] =	vst v63  }
.Ltmp2:
0x3d: {  	s17 =	rddreg [dreg:$0xe];
	(pc) =	sbr.rel .LBB2_2-.Ltmp2, $4  }
0x3e: {  	s18 =	rddreg [dreg:$0xf]  }
0x3f: {  	[tilespmem:s25], [sflag:$0x4] =	stream.linear.gather [hbm4b:s19+s3], $0x2000, $0x38;
	[tilespmem:$0x14080] =	vst v63  }
0x40: {  	s12 =	simm.s32 $0x0;
	s19 =	rddreg [dreg:$0x10]  }
0x41: {  	v6 =	vimm.s32 $0x0;
	[tilespmem:s26], [sflag:$0x4] =	stream.linear.gather [hbm4b:s20+s3], $0x2000, $0x38;
	[tilespmem:$0x14080] =	vst v63  }
.LBB2_26:
0x42: {  	s1 =	smin.u32 s13, $0xFEC000;
	s12 =	sadd.s32 $0x1, s12  }
0x43: {  	s1 =	sshrl.u32 s1, $0x3;
	p0 =	sne.s32 s12, $0x8  }
.Ltmp3:
0x44: {  	s1 =	sadd.s32 $0x2000, s1;
	(pc) =	sbr.rel @!p0 .LBB2_27-.Ltmp3, $4  }
0x45: {  	s16 =	sadd.s32 $0x10000, s16;
	s17 =	sadd.s32 $0x10000, s17;
	s4 =	sadd.s32 s2, s1  }
0x46: {  	[tilespmem:s25], [sflag:$0x4] =	stream.linear.gather [hbm4b:s4+s3], $0x2000, $0x38;
	[tilespmem:$0x14080] =	vst v63  }
0x47: {  	s18 =	sadd.s32 $0x10000, s18;
	s19 =	sadd.s32 $0x10000, s19;
	s1 =	sadd.s32 s1, s5  }
0x48: {  	[tilespmem:s26], [sflag:$0x4] =	stream.linear.gather [hbm4b:s1+s3], $0x2000, $0x38;
	[tilespmem:$0x14080] =	vst v63  }
.LBB2_2:
0x49: {  	_ =	swait.ge [sflag:s28], $0x4000  }
0x4a: {  	[sflag:s28] =	ssyncset.done $0x0  }
0x4b: {  	s1 =	simm.s32 $0x40;
	[sflag:s28] =	ssyncadd.s32 $0xFFFFC000  }
0x4c: {  	v4 =	vld [tilespmem:s1+$0xFFFFFFC0]  }
0x4d: {  	v5 =	vld [tilespmem:s1+$0xFFFFFFD0]  }
0x4e: {  	v7 =	vld [tilespmem:s1+$0x0]  }
0x4f: {  	v10 =	vld [tilespmem:s1+$0x10]  }
0x50: {  	s4 =	sadd.s32 $0xFFFFFF90, s16;
	v11 =	vld [tilespmem:s1+$0xFFFFFFE0]  }
0x51: {  	v9 =	vor.u32 s4, v1;
	s4 =	simm.s32 $0xC0;
	v12 =	vld [tilespmem:s1+$0xFFFFFFF0]  }
0x52: {  	v8 =	vlaneseq.u32;
	s8 =	sadd.s32 $0xFFFFFFC0, s16;
	s13 =	sadd.s32 $0xFFFFFFA0, s16;
	v28 =	vld [tilespmem:s4+$0xFFFFFFE0]  }
0x53: {  	s15 =	sadd.s32 $0xFFFFFFE0, s16;
	v14 =	vor.u32 s8, v1;
	v15 =	vor.u32 s13, v1;
	vm5 =	veq.f32 v4, $0.0e+00  }
0x54: {  	v18 =	vor.u32 s15, v1;
	vm4 =	veq.f32 v5, $0.0e+00;
	v4 =	vsel vm5, $0x0, v0  }
0x55: {  	s14 =	sadd.s32 $0xFFFFFFB0, s16;
	vm1 =	veq.f32 v7, $0.0e+00;
	vm2 =	veq.f32 v10, $0.0e+00;
	v4 =	vadd.s32 v8, v4  }
0x56: {  	v27 =	vld [tilespmem:s4+$0xFFFFFFD0];
	vm7 =	veq.f32 v11, $0.0e+00;
	vm6 =	veq.f32 v12, $0.0e+00;
	v12 =	vor.u32 s14, v1  }
0x57: {  	v5 =	vld [tilespmem:s1+$0x30];
	vm8 =	veq.f32 v28, $0.0e+00;
	v7 =	vsel vm4, $0x0, v0;
	v13 =	vsel vm1, $0x0, v0  }
0x58: {  	v17 =	vld [tilespmem:s1+$0x20];
	[tilespmem:v8+s29+$0x0] =	vst.idx.msk $0xffff, v9;
	v11 =	vsel vm7, $0x0, v0;
	vm5 =	vmor vm0, vm5;
	v7 =	vadd.s32 v4, v7  }
0x59: {  	v16 =	vsel vm6, $0x0, v0;
	v8 =	vld.idx.msk [tilespmem:v8+s29+$0x0], $0xffff;
	vm4 =	vmor vm5, vm4;
	v11 =	vadd.s32 v7, v11  }
0x5a: {  	v20 =	vld [tilespmem:s4+$0xFFFFFFC0];
	v10 =	vsel vm2, $0x0, v0;
	vm4 =	vmor vm4, vm7;
	v16 =	vadd.s32 v11, v16;
	[tilespmem:v4+s29+$0x0] =	vst.idx.msk $0xffff, v15  }
0x5b: {  	s20 =	sadd.s32 $0xFFFFFFD0, s16;
	vm7 =	veq.f32 v27, $0.0e+00;
	vm4 =	vmor vm4, vm6;
	v13 =	vadd.s32 v16, v13;
	v4 =	vld.idx.msk [tilespmem:v4+s29+$0x0], $0xffff  }
0x5c: {  	v23 =	vld [tilespmem:s4+$0x0];
	vm3 =	veq.f32 v5, $0.0e+00;
	v5 =	vor.u32 s20, v1;
	v21 =	vadd.s32 v13, v10  }
0x5d: {  	v24 =	vld [tilespmem:s4+$0x30];
	vm1 =	vmor vm4, vm1;
	vm4 =	veq.f32 v17, $0.0e+00;
	v19 =	vsel vm3, $0x0, v0;
	[tilespmem:v7+s29+$0x0] =	vst.idx.msk $0xffff, v12  }
0x5e: {  	vm1 =	vmor vm1, vm2;
	v26 =	vsel vm4, $0x0, v0;
	v22 =	vxor.u32 v9, v8;
	v7 =	vld.idx.msk [tilespmem:v7+s29+$0x0], $0xffff  }
0x5f: {  	s9 =	sadd.s32 $0xFFFFFFF0, s16;
	v25 =	vld [tilespmem:s4+$0x10];
	s14 =	sadd.s32 $0x80, s16;
	vm2 =	veq.f32 v20, $0.0e+00;
	v17 =	vor.u32 v6, v22;
	v20 =	vadd.s32 v21, v26  }
0x60: {  	s15 =	sadd.s32 $0xFFFFFF90, s14;
	v22 =	vld [tilespmem:s4+$0xFFFFFFF0];
	v19 =	vadd.s32 v20, v19;
	[tilespmem:v16+s29+$0x0] =	vst.idx.msk $0xffff, v5;
	v15 =	vxor.u32 v15, v4;
	v4 =	vor.u32 s9, v1  }
0x61: {  	s7 =	sadd.s32 $0xFFFFFFC0, s14;
	v10 =	vor.u32 s15, v1;
	vm4 =	vmor vm1, vm4;
	vm1 =	veq.f32 v23, $0.0e+00;
	v30 =	vld.idx.msk [tilespmem:v16+s29+$0x0], $0xffff;
	[tilespmem:v21+s29+$0x0] =	vst.idx.msk $0xffff, v4  }
0x62: {  	v8 =	vor.u32 s7, v1;
	vm5 =	vmor vm4, vm3;
	v29 =	vsel vm1, $0x0, v0;
	[tilespmem:v11+s29+$0x0] =	vst.idx.msk $0xffff, v14;
	v21 =	vld.idx.msk [tilespmem:v21+s29+$0x0], $0xffff  }
0x63: {  	v12 =	vxor.u32 v12, v7;
	v7 =	vsel vm2, $0x0, v0;
	v15 =	vor.u32 v15, v17;
	v17 =	vld.idx.msk [tilespmem:v11+s29+$0x0], $0xffff  }
0x64: {  	s10 =	sadd.s32 $0xFFFFFFA0, s14;
	vm3 =	veq.f32 v25, $0.0e+00;
	vm4 =	veq.f32 v24, $0.0e+00;
	[tilespmem:v13+s29+$0x0] =	vst.idx.msk $0xffff, v18;
	v26 =	vadd.s32 v19, v7  }
0x65: {  	v23 =	vld.idx.msk [tilespmem:v13+s29+$0x0], $0xffff;
	v13 =	vor.u32 s10, v1;
	vm6 =	veq.f32 v22, $0.0e+00;
	[tilespmem:v19+s29+$0x0] =	vst.idx.msk $0xffff, v10;
	v7 =	vor.u32 s16, v1  }
0x66: {  	v11 =	vsel vm7, $0x0, v0;
	v25 =	vor.u32 v12, v15;
	v15 =	vsel vm8, $0x0, v0;
	v22 =	vld.idx.msk [tilespmem:v19+s29+$0x0], $0xffff;
	[tilespmem:v20+s29+$0x0] =	vst.idx.msk $0xffff, v7  }
0x67: {  	v19 =	vxor.u32 v5, v30;
	v24 =	vld.idx.msk [tilespmem:v20+s29+$0x0], $0xffff;
	v16 =	vxor.u32 v4, v21;
	v21 =	vadd.s32 v26, v11  }
0x68: {  	v20 =	vsel vm6, $0x0, v0;
	v17 =	vxor.u32 v14, v17;
	v15 =	vadd.s32 v21, v15  }
0x69: {  	s11 =	sadd.s32 $0xFFFFFFB0, s14;
	v27 =	vsel vm3, $0x0, v0;
	[tilespmem:v26+s29+$0x0] =	vst.idx.msk $0xffff, v13;
	v14 =	vadd.s32 v15, v20;
	v20 =	vor.u32 v17, v25  }
0x6a: {  	s8 =	simm.s32 $0x140;
	s13 =	sadd.s32 $0xFFFFFFE0, s14;
	v12 =	vor.u32 s11, v1;
	v63 =	vxor.u32 v18, v23;
	v25 =	vor.u32 v19, v20;
	v20 =	vld.idx.msk [tilespmem:v26+s29+$0x0], $0xffff  }
0x6b: {  	s20 =	sshll.u32 s12, $0x10;
	s10 =	simm.s32 $0x8;
	s9 =	sadd.s32 $0x80, s14;
	v23 =	vsel vm4, $0x0, v0;
	v11 =	vor.u32 s13, v1;
	v17 =	vadd.s32 v14, v29  }
0x6c: {  	s11 =	smov.u32 s14;
	v18 =	vld [tilespmem:s4+$0x20];
	s4 =	sadd.s32 $0xFFFFFFD0, s14;
	s13 =	sor.u32 s6, s20;
	v24 =	vxor.u32 v7, v24;
	v19 =	vadd.s32 v17, v27;
	v25 =	vor.u32 v63, v25  }
.LBB2_3:
0x6d: {  	v26 =	vld [tilespmem:s8+$0xFFFFFFC0];
	s1 =	sadd.s32 $0xFFFFFF90, s9;
	s7 =	sadd.s32 $0xFFFFFFC0, s9;
	s10 =	sadd.s32 $0x8, s10;
	v22 =	vxor.u32 v10, v22;
	vm2 =	vmor vm5, vm2;
	[tilespmem:v21+s29+$0x0] =	vst.idx.msk $0xffff, v12;
	v27 =	vor.u32 s4, v1  }
0x6e: {  	v16 =	vor.u32 v16, v25;
	v10 =	vor.u32 s1, v1;
	v28 =	vor.u32 s7, v1;
	p0 =	slt.u32 s10, $0x3F8;
	v21 =	vld.idx.msk [tilespmem:v21+s29+$0x0], $0xffff;
	[tilespmem:v15+s29+$0x0] =	vst.idx.msk $0xffff, v8  }
0x6f: {  	v13 =	vxor.u32 v13, v20;
	vm2 =	vmor vm2, vm7;
	s1 =	sadd.s32 $0xFFFFFFF0, s11;
	v16 =	vor.u32 v24, v16;
	v25 =	vld [tilespmem:s8+$0x0];
	[tilespmem:v14+s29+$0x0] =	vst.idx.msk $0xffff, v27  }
0x70: {  	vm2 =	vmor vm2, vm8;
	v24 =	vor.u32 s1, v1;
	v16 =	vor.u32 v16, v22;
	v20 =	vld [tilespmem:s8+$0x30];
	[tilespmem:v17+s29+$0x0] =	vst.idx.msk $0xffff, v11  }
0x71: {  	vm2 =	vmor vm2, vm6;
	v22 =	vld [tilespmem:s8+$0x10];
	[tilespmem:v19+s29+$0x0] =	vst.idx.msk $0xffff, v24  }
0x72: {  	vm5 =	veq.f32 v18, $0.0e+00;
	vm1 =	vmor vm2, vm1;
	v29 =	vld [tilespmem:s8+$0xFFFFFFF0]  }
0x73: {  	v30 =	vsel vm5, $0x0, v0;
	vm1 =	vmor vm1, vm3;
	v18 =	vld [tilespmem:s8+$0xFFFFFFD0]  }
0x74: {  	vm2 =	veq.f32 v26, $0.0e+00;
	v12 =	vxor.u32 v12, v21;
	v21 =	vld.idx.msk [tilespmem:v19+s29+$0x0], $0xffff;
	v19 =	vadd.s32 v19, v30  }
0x75: {  	v26 =	vsel vm2, $0x0, v0;
	vm3 =	vmor vm1, vm5;
	v17 =	vld.idx.msk [tilespmem:v17+s29+$0x0], $0xffff;
	v23 =	vadd.s32 v19, v23  }
0x76: {  	vm1 =	veq.f32 v25, $0.0e+00;
	vm5 =	vmor vm3, vm4;
	v26 =	vadd.s32 v23, v26;
	v30 =	vld [tilespmem:s8+$0xFFFFFFE0]  }
0x77: {  	v32 =	vor.u32 s11, v1;
	s11 =	smov.u32 s9;
	s1 =	sadd.s32 $0xFFFFFFA0, s9;
	v25 =	vsel vm1, $0x0, v0;
	v31 =	vld.idx.msk [tilespmem:v15+s29+$0x0], $0xffff;
	v15 =	vor.u32 v13, v16  }
0x78: {  	vm3 =	veq.f32 v22, $0.0e+00;
	v13 =	vor.u32 s1, v1;
	v33 =	vld.idx.msk [tilespmem:v14+s29+$0x0], $0xffff;
	v34 =	vor.u32 v12, v15  }
0x79: {  	s1 =	sadd.s32 $0xFFFFFFB0, s9;
	vm6 =	veq.f32 v29, $0.0e+00;
	v29 =	vsel vm3, $0x0, v0;
	vm7 =	veq.f32 v18, $0.0e+00;
	v18 =	vld [tilespmem:s8+$0x20];
	[tilespmem:v19+s29+$0x0] =	vst.idx.msk $0xffff, v32  }
0x7a: {  	vm4 =	veq.f32 v20, $0.0e+00;
	v12 =	vor.u32 s1, v1;
	v16 =	vxor.u32 v24, v21;
	[tilespmem:v23+s29+$0x0] =	vst.idx.msk $0xffff, v10;
	v24 =	vld.idx.msk [tilespmem:v19+s29+$0x0], $0xffff  }
0x7b: {  	s1 =	sadd.s32 $0xFFFFFFE0, s9;
	v14 =	vsel vm7, $0x0, v0;
	v19 =	vsel vm6, $0x0, v0;
	v22 =	vld.idx.msk [tilespmem:v23+s29+$0x0], $0xffff;
	[tilespmem:v26+s29+$0x0] =	vst.idx.msk $0xffff, v13;
	vm8 =	veq.f32 v30, $0.0e+00  }
.Ltmp4:
0x7c: {  	v21 =	vadd.s32 v26, v14;
	v23 =	vor.u32 s1, v1;
	v20 =	vld.idx.msk [tilespmem:v26+s29+$0x0], $0xffff;
	v14 =	vsel vm8, $0x0, v0;
	(pc) =	sbr.rel @p0 .LBB2_3-.Ltmp4, $4  }
0x7d: {  	v30 =	vxor.u32 v11, v17;
	v26 =	vxor.u32 v8, v31;
	v8 =	vmovc v28;
	v15 =	vadd.s32 v21, v14  }
0x7e: {  	v11 =	vmovc v23;
	v26 =	vor.u32 v26, v34;
	v14 =	vadd.s32 v15, v19;
	v19 =	vxor.u32 v27, v33  }
0x7f: {  	v23 =	vsel vm4, $0x0, v0;
	v17 =	vadd.s32 v14, v25;
	v25 =	vor.u32 v19, v26  }
0x80: {  	s4 =	sadd.s32 $0xFFFFFFD0, s11;
	s9 =	sadd.s32 $0x80, s9;
	s8 =	sadd.s32 $0x80, s8;
	v24 =	vxor.u32 v32, v24;
	v19 =	vadd.s32 v17, v29;
	v25 =	vor.u32 v30, v25  }
0x81: {  	vm2 =	vmor vm5, vm2  }
0x82: {  	vm2 =	vmor vm2, vm7  }
0x83: {  	vm2 =	vmor vm2, vm8  }
0x84: {  	vm2 =	vmor vm2, vm6  }
0x85: {  	vm1 =	vmor vm2, vm1  }
0x86: {  	vm2 =	veq.f32 v18, $0.0e+00;
	vm1 =	vmor vm1, vm3  }
0x87: {  	vm1 =	vmor vm1, vm2  }
0x88: {  	vm1 =	vmor vm1, vm4  }
0x89: {  	v56 =	vsel vm1, $0x3F800000, v2  }
0x8a: {  	(xrf0) =	vmax.scan.msk.f32 $0xffff, v56;
	_ =	sdelay $0x5  }
0x8b: {  	v18, _, _ =	vpop (xrf0)  }
0x8c: {  	(v2sf) =	vpush v18, $0xF;
	_ =	sdelay $0x7  }
0x8d: {  	v57 =	vsel vm2, $0x0, v0  }
0x8e: {  	[tilespmem:v21+s29+$0x0] =	vst.idx.msk $0xffff, v12;
	v18 =	vadd.s32 v19, v57  }
0x8f: {  	v23 =	vor.u32 s4, v1;
	[tilespmem:v15+s29+$0x0] =	vst.idx.msk $0xffff, v8;
	v21 =	vld.idx.msk [tilespmem:v21+s29+$0x0], $0xffff  }
0x90: {  	v10 =	vxor.u32 v10, v22;
	s1 =	sadd.s32 $0xFFFFFFF0, s11;
	[tilespmem:v14+s29+$0x0] =	vst.idx.msk $0xffff, v23;
	v15 =	vld.idx.msk [tilespmem:v15+s29+$0x0], $0xffff  }
0x91: {  	v16 =	vor.u32 v16, v25;
	[tilespmem:v17+s29+$0x0] =	vst.idx.msk $0xffff, v11;
	v58 =	vor.u32 s1, v1;
	v14 =	vld.idx.msk [tilespmem:v14+s29+$0x0], $0xffff  }
0x92: {  	v59 =	vor.u32 s11, v1;
	v16 =	vor.u32 v24, v16;
	v17 =	vld.idx.msk [tilespmem:v17+s29+$0x0], $0xffff;
	[tilespmem:v19+s29+$0x0] =	vst.idx.msk $0xffff, v58  }
0x93: {  	v13 =	vxor.u32 v13, v20;
	v10 =	vor.u32 v16, v10;
	v60 =	vld.idx.msk [tilespmem:v19+s29+$0x0], $0xffff;
	[tilespmem:v18+s29+$0x0] =	vst.idx.msk $0xffff, v59  }
0x94: {  	v10 =	vor.u32 v13, v10;
	v61 =	vxor.u32 v12, v21;
	v62 =	vld.idx.msk [tilespmem:v18+s29+$0x0], $0xffff;
	s20 =	spop (v2sf)  }
0x95: {  	v8 =	vxor.u32 v8, v15;
	v10 =	vor.u32 v61, v10;
	p0 =	sgt.f32 s20, $0.0e+00  }
.Ltmp5:
0x96: {  	v63 =	vxor.u32 v23, v14;
	v8 =	vor.u32 v8, v10;
	(pc) =	sbr.rel @!p0 .LBB2_8-.Ltmp5, $4  }
0x97: {  	v10 =	vxor.u32 v11, v17;
	v8 =	vor.u32 v63, v8  }
0x98: {  	v11 =	vxor.u32 v58, v60;
	v8 =	vor.u32 v10, v8  }
0x99: {  	v8 =	vor.u32 v11, v8;
	v10 =	vxor.u32 v59, v62  }
0x9a: {  	v8 =	vor.u32 v10, v8  }
0x9b: {  	s1 =	simm.s32 $0x40  }
0x9c: {  	v8 =	vld [tilespmem:s1+$0xFFFFFFC0]  }
0x9d: {  	v10 =	vld [tilespmem:s1+$0xFFFFFFD0]  }
0x9e: {  	v11 =	vld [tilespmem:s1+$0xFFFFFFE0]  }
0x9f: {  	v12 =	vld [tilespmem:s1+$0x30]  }
0xa0: {  	v13 =	vld [tilespmem:s1+$0x10]  }
0xa1: {  	s4 =	simm.s32 $0xC0;
	v14 =	vld [tilespmem:s1+$0x0]  }
0xa2: {  	v17 =	vld [tilespmem:s4+$0x30];
	vm1 =	vne.f32 v8, $0.0e+00  }
0xa3: {  	v18 =	vld [tilespmem:s4+$0x0];
	v8 =	vlaneseq.u32;
	vm4 =	vne.f32 v10, $0.0e+00;
	v15 =	vsel vm1, $0x10, v3  }
0xa4: {  	vm2 =	vne.f32 v11, $0.0e+00;
	v11 =	vadd.s32 v8, v15;
	v15 =	vsel vm4, $0x10, v3  }
0xa5: {  	s11 =	sadd.s32 $0xFFFFFFA0, s16;
	s7 =	sadd.s32 $0xFFFFFFB0, s16;
	v10 =	vld [tilespmem:s1+$0xFFFFFFF0];
	v15 =	vadd.s32 v11, v15  }
0xa6: {  	s20 =	sadd.s32 $0xFFFFFFC0, s16;
	v19 =	vor.u32 s11, v1;
	v21 =	vor.u32 s7, v1;
	vm3 =	vne.f32 v12, $0.0e+00;
	v12 =	vld [tilespmem:s4+$0x10]  }
0xa7: {  	v16 =	vld [tilespmem:s1+$0x20];
	v27 =	vor.u32 s20, v1;
	vm5 =	vne.f32 v14, $0.0e+00;
	vm6 =	vne.f32 v13, $0.0e+00  }
0xa8: {  	v26 =	vld [tilespmem:s4+$0xFFFFFFE0];
	vm9 =	vne.f32 v18, $0.0e+00;
	vm11 =	vne.f32 v17, $0.0e+00;
	v13 =	vsel vm6, $0x10, v3;
	[tilespmem:v8+s29+$0x0] =	vst.idx.msk vm1, v9  }
0xa9: {  	v14 =	vsel vm3, $0x10, v3;
	v20 =	vsel vm2, $0x10, v3;
	v24 =	vsel vm5, $0x10, v3;
	v22 =	vld.idx.msk [tilespmem:v8+s29+$0x0], vm1;
	[tilespmem:v11+s29+$0x0] =	vst.idx.msk vm4, v19  }
0xaa: {  	vm10 =	vmmov vm3;
	vm12 =	vmmov vm2;
	vm7 =	vne.f32 v10, $0.0e+00;
	v11 =	vld.idx.msk [tilespmem:v11+s29+$0x0], vm4;
	[tilespmem:v15+s29+$0x0] =	vst.idx.msk vm2, v21  }
0xab: {  	vm5 =	vmmov vm5;
	vm8 =	vne.f32 v12, $0.0e+00;
	v23 =	vsel vm7, $0x10, v3;
	v25 =	vld.idx.msk [tilespmem:v15+s29+$0x0], vm2  }
0xac: {  	vm3 =	vmmov vm7;
	v8 =	vor.u32 s15, v1;
	v15 =	vadd.s32 v15, v20;
	v20 =	vld [tilespmem:s4+$0xFFFFFFC0]  }
0xad: {  	s15 =	sadd.s32 $0xFFFFFFE0, s16;
	vm2 =	vmmov vm6;
	vm6 =	vne.f32 v16, $0.0e+00;
	v16 =	vld [tilespmem:s4+$0xFFFFFFF0];
	v23 =	vadd.s32 v15, v23  }
0xae: {  	v10 =	vor.u32 s15, v1;
	v9 =	vxor.u32 v9, v22;
	v22 =	vadd.s32 v23, v24  }
0xaf: {  	v12 =	vsel vm6, $0x10, v3;
	v18 =	vnsel vm1, $0x0, v9;
	v24 =	vadd.s32 v22, v13  }
0xb0: {  	v28 =	vld [tilespmem:s4+$0xFFFFFFD0];
	v9 =	vsel vm8, $0x10, v3;
	v13 =	vxor.u32 v19, v11;
	v11 =	vsel vm11, $0x10, v3  }
0xb1: {  	v17 =	vxor.u32 v21, v25;
	[tilespmem:v15+s29+$0x0] =	vst.idx.msk vm7, v27;
	vm7 =	vne.f32 v26, $0.0e+00;
	v63 =	vadd.s32 v24, v12  }
0xb2: {  	vm1 =	vne.f32 v20, $0.0e+00;
	vm14 =	vne.f32 v16, $0.0e+00;
	v19 =	vor.u32 v6, v18;
	v62 =	vld.idx.msk [tilespmem:v15+s29+$0x0], vm3;
	[tilespmem:v23+s29+$0x0] =	vst.idx.msk vm5, v5  }
0xb3: {  	v15 =	vnsel vm4, $0x0, v13;
	v16 =	vadd.s32 v63, v14;
	v14 =	vsel vm1, $0x10, v3;
	v21 =	vld.idx.msk [tilespmem:v23+s29+$0x0], vm5  }
0xb4: {  	v6 =	vsel vm9, $0x10, v3;
	v15 =	vor.u32 v15, v19;
	v19 =	vadd.s32 v16, v14;
	v14 =	vld [tilespmem:s4+$0x20];
	[tilespmem:v22+s29+$0x0] =	vst.idx.msk vm2, v10  }
0xb5: {  	v12 =	vsel vm7, $0x10, v3;
	v20 =	vnsel vm12, $0x0, v17;
	vm4 =	vne.f32 v28, $0.0e+00;
	v17 =	vld.idx.msk [tilespmem:v22+s29+$0x0], vm2;
	[tilespmem:v24+s29+$0x0] =	vst.idx.msk vm6, v4  }
0xb6: {  	s10 =	simm.s32 $0x8;
	v13 =	vsel vm14, $0x10, v3;
	vm12 =	vmmov vm10;
	v23 =	vsel vm4, $0x10, v3;
	v18 =	vld.idx.msk [tilespmem:v24+s29+$0x0], vm6;
	[tilespmem:v63+s29+$0x0] =	vst.idx.msk vm10, v7  }
0xb7: {  	s9 =	sadd.s32 $0x80, s14;
	s11 =	simm.s32 $0x140;
	s1 =	sadd.s32 $0xFFFFFFB0, s14;
	v22 =	vor.u32 v20, v15;
	v15 =	vadd.s32 v19, v23;
	v23 =	vxor.u32 v27, v62;
	v20 =	vld.idx.msk [tilespmem:v63+s29+$0x0], vm10  }
.LBB2_6:
0xb8: {  	v25 =	vor.u32 s1, v1;
	v23 =	vnsel vm3, $0x0, v23;
	v5 =	vxor.u32 v5, v21  }
0xb9: {  	s4 =	sadd.s32 $0xFFFFFF90, s9;
	v24 =	vld [tilespmem:s11+$0x30];
	s10 =	sadd.s32 $0x8, s10;
	vm10 =	vmmov vm11;
	vm13 =	vmmov vm7;
	vm3 =	vmmov vm14  }
0xba: {  	s1 =	sadd.s32 $0xFFFFFFA0, s14;
	v21 =	vor.u32 s4, v1;
	v26 =	vld [tilespmem:s11+$0x10];
	p0 =	slt.u32 s10, $0x3F8;
	v5 =	vnsel vm5, $0x0, v5;
	v22 =	vor.u32 v23, v22  }
0xbb: {  	v10 =	vxor.u32 v10, v17;
	v27 =	vor.u32 s1, v1;
	v23 =	vld [tilespmem:s11+$0x0];
	[tilespmem:v16+s29+$0x0] =	vst.idx.msk vm1, v8;
	v5 =	vor.u32 v5, v22  }
0xbc: {  	v10 =	vnsel vm2, $0x0, v10;
	v4 =	vxor.u32 v4, v18;
	vm5 =	vmmov vm9;
	v16 =	vld.idx.msk [tilespmem:v16+s29+$0x0], vm1;
	[tilespmem:v19+s29+$0x0] =	vst.idx.msk vm4, v27  }
0xbd: {  	vm2 =	vmmov vm8;
	v4 =	vnsel vm6, $0x0, v4;
	v5 =	vor.u32 v10, v5;
	v17 =	vld.idx.msk [tilespmem:v19+s29+$0x0], vm4;
	[tilespmem:v15+s29+$0x0] =	vst.idx.msk vm7, v25  }
0xbe: {  	s1 =	sadd.s32 $0xFFFFFFE0, s14;
	s4 =	sadd.s32 $0xFFFFFFF0, s14;
	v7 =	vxor.u32 v7, v20;
	v19 =	vor.u32 v4, v5;
	v18 =	vld.idx.msk [tilespmem:v15+s29+$0x0], vm7  }
0xbf: {  	s7 =	sadd.s32 $0xFFFFFFD0, s14;
	v10 =	vor.u32 s1, v1;
	v4 =	vor.u32 s4, v1;
	v7 =	vnsel vm12, $0x0, v7;
	v20 =	vld [tilespmem:s11+$0xFFFFFFE0]  }
0xc0: {  	v12 =	vadd.s32 v15, v12;
	s1 =	sadd.s32 $0xFFFFFFC0, s14;
	v5 =	vor.u32 s7, v1;
	v7 =	vor.u32 v7, v19;
	v22 =	vld [tilespmem:s11+$0xFFFFFFC0]  }
0xc1: {  	v13 =	vadd.s32 v12, v13;
	vm6 =	vne.f32 v14, $0.0e+00;
	v28 =	vor.u32 s1, v1;
	v15 =	vld [tilespmem:s11+$0xFFFFFFD0]  }
0xc2: {  	v6 =	vadd.s32 v13, v6;
	vm9 =	vne.f32 v23, $0.0e+00;
	v16 =	vxor.u32 v8, v16;
	v8 =	vmovc v21;
	v14 =	vld [tilespmem:s11+$0xFFFFFFF0]  }
0xc3: {  	vm8 =	vne.f32 v26, $0.0e+00;
	v23 =	vadd.s32 v6, v9;
	v19 =	vnsel vm1, $0x0, v16  }
0xc4: {  	vm11 =	vne.f32 v24, $0.0e+00;
	v9 =	vsel vm8, $0x10, v3;
	v16 =	vxor.u32 v25, v18  }
0xc5: {  	v24 =	vsel vm11, $0x10, v3;
	v17 =	vxor.u32 v27, v17;
	v18 =	vsel vm6, $0x10, v3;
	[tilespmem:v12+s29+$0x0] =	vst.idx.msk vm3, v28  }
0xc6: {  	vm7 =	vne.f32 v20, $0.0e+00;
	v25 =	vadd.s32 v23, v18;
	vm1 =	vne.f32 v22, $0.0e+00;
	v20 =	vld.idx.msk [tilespmem:v12+s29+$0x0], vm3;
	[tilespmem:v13+s29+$0x0] =	vst.idx.msk vm5, v5  }
0xc7: {  	v12 =	vsel vm7, $0x10, v3;
	vm14 =	vne.f32 v14, $0.0e+00;
	v14 =	vnsel vm4, $0x0, v17;
	v21 =	vld.idx.msk [tilespmem:v13+s29+$0x0], vm5;
	[tilespmem:v6+s29+$0x0] =	vst.idx.msk vm2, v10  }
.Ltmp6:
0xc8: {  	v22 =	vnsel vm13, $0x0, v16;
	v16 =	vadd.s32 v25, v11;
	v13 =	vsel vm14, $0x10, v3;
	v17 =	vld.idx.msk [tilespmem:v6+s29+$0x0], vm2;
	[tilespmem:v23+s29+$0x0] =	vst.idx.msk vm6, v4;
	(pc) =	sbr.rel @p0 .LBB2_6-.Ltmp6, $4  }
0xc9: {  	v19 =	vor.u32 v7, v19;
	v11 =	vmovc v24;
	v26 =	vsel vm1, $0x10, v3;
	v6 =	vsel vm9, $0x10, v3;
	v18 =	vld.idx.msk [tilespmem:v23+s29+$0x0], vm6  }
0xca: {  	v7 =	vor.u32 s14, v1;
	s14 =	smov.u32 s9;
	vm4 =	vne.f32 v15, $0.0e+00;
	v15 =	vor.u32 v14, v19  }
0xcb: {  	v19 =	vadd.s32 v16, v26;
	v23 =	vsel vm4, $0x10, v3;
	v22 =	vor.u32 v22, v15;
	v14 =	vld [tilespmem:s11+$0x20];
	[tilespmem:v25+s29+$0x0] =	vst.idx.msk vm10, v7  }
0xcc: {  	vm12 =	vmmov vm10;
	s9 =	sadd.s32 $0x80, s9;
	s1 =	sadd.s32 $0xFFFFFFB0, s14;
	v15 =	vadd.s32 v19, v23;
	s11 =	sadd.s32 $0x80, s11;
	v23 =	vxor.u32 v28, v20;
	v20 =	vld.idx.msk [tilespmem:v25+s29+$0x0], vm10  }
0xcd: {  	_ =	sdelay $0x2  }
0xce: {  	v11 =	vor.u32 s1, v1;
	v23 =	vnsel vm3, $0x0, v23  }
0xcf: {  	v5 =	vxor.u32 v5, v21;
	vm3 =	vmmov vm11;
	vm10 =	vmmov vm14  }
0xd0: {  	s11 =	sadd.s32 $0xFFFFFFA0, s14;
	[tilespmem:v16+s29+$0x0] =	vst.idx.msk vm1, v8;
	v10 =	vxor.u32 v10, v17;
	v12 =	vadd.s32 v15, v12;
	v5 =	vnsel vm5, $0x0, v5  }
0xd1: {  	s15 =	sadd.s32 $0xFFFFFFC0, s14;
	v55 =	vor.u32 v23, v22;
	v56 =	vor.u32 s11, v1;
	v16 =	vld.idx.msk [tilespmem:v16+s29+$0x0], vm1;
	v10 =	vnsel vm2, $0x0, v10  }
0xd2: {  	v4 =	vxor.u32 v4, v18;
	[tilespmem:v15+s29+$0x0] =	vst.idx.msk vm7, v11;
	v13 =	vadd.s32 v12, v13;
	v58 =	vor.u32 s15, v1  }
0xd3: {  	v5 =	vor.u32 v5, v55;
	[tilespmem:v19+s29+$0x0] =	vst.idx.msk vm4, v56;
	v6 =	vadd.s32 v13, v6;
	vm15 =	vne.f32 v14, $0.0e+00  }
0xd4: {  	v15 =	vld.idx.msk [tilespmem:v15+s29+$0x0], vm7;
	v5 =	vor.u32 v10, v5;
	v9 =	vadd.s32 v6, v9;
	v10 =	vsel vm15, $0x10, v3  }
0xd5: {  	s4 =	sadd.s32 $0xFFFFFFD0, s14;
	v4 =	vnsel vm6, $0x0, v4;
	v57 =	vld.idx.msk [tilespmem:v19+s29+$0x0], vm4;
	v7 =	vxor.u32 v7, v20;
	v10 =	vadd.s32 v9, v10  }
0xd6: {  	s20 =	sadd.s32 $0xFFFFFFE0, s14;
	v4 =	vor.u32 v4, v5;
	v5 =	vnsel vm12, $0x0, v7;
	v7 =	vor.u32 s4, v1;
	[tilespmem:v12+s29+$0x0] =	vst.idx.msk vm14, v58  }
0xd7: {  	vm13 =	vmmov vm8;
	s7 =	sadd.s32 $0xFFFFFFF0, s14;
	v59 =	vor.u32 s20, v1;
	v4 =	vor.u32 v5, v4;
	v5 =	vld.idx.msk [tilespmem:v12+s29+$0x0], vm14;
	[tilespmem:v13+s29+$0x0] =	vst.idx.msk vm9, v7  }
0xd8: {  	v63 =	vor.u32 s14, v1;
	vm2 =	vmmov vm9;
	v60 =	vor.u32 s7, v1;
	v61 =	vld.idx.msk [tilespmem:v13+s29+$0x0], vm9;
	[tilespmem:v6+s29+$0x0] =	vst.idx.msk vm8, v59  }
0xd9: {  	v8 =	vxor.u32 v8, v16;
	v11 =	vxor.u32 v11, v15;
	v6 =	vld.idx.msk [tilespmem:v6+s29+$0x0], vm8;
	[tilespmem:v9+s29+$0x0] =	vst.idx.msk vm15, v60  }
0xda: {  	v8 =	vnsel vm1, $0x0, v8;
	vm1 =	vmmov vm7;
	v62 =	vxor.u32 v56, v57;
	v9 =	vld.idx.msk [tilespmem:v9+s29+$0x0], vm15;
	[tilespmem:v10+s29+$0x0] =	vst.idx.msk vm3, v63  }
0xdb: {  	v4 =	vor.u32 v4, v8;
	v8 =	vnsel vm1, $0x0, v11;
	v13 =	vnsel vm4, $0x0, v62;
	v10 =	vld.idx.msk [tilespmem:v10+s29+$0x0], vm3  }
0xdc: {  	vm1 =	vmmov vm3;
	v4 =	vor.u32 v13, v4;
	v5 =	vxor.u32 v58, v5  }
0xdd: {  	v4 =	vor.u32 v8, v4;
	v5 =	vnsel vm10, $0x0, v5;
	v7 =	vxor.u32 v7, v61  }
0xde: {  	v7 =	vnsel vm2, $0x0, v7;
	v4 =	vor.u32 v5, v4;
	v5 =	vxor.u32 v59, v6  }
0xdf: {  	v4 =	vor.u32 v7, v4;
	v5 =	vnsel vm13, $0x0, v5;
	v6 =	vxor.u32 v60, v9  }
0xe0: {  	v4 =	vor.u32 v5, v4;
	v6 =	vnsel vm15, $0x0, v6;
	v5 =	vxor.u32 v63, v10  }
0xe1: {  	v4 =	vor.u32 v6, v4;
	v5 =	vnsel vm1, $0x0, v5  }
0xe2: {  	v8 =	vor.u32 v5, v4  }
.LBB2_8:
0xe3: {  	s1 =	smin.u32 s13, $0xFEC000  }
0xe4: {  	s1 =	sshrl.u32 s1, $0x3  }
0xe5: {  	s1 =	sadd.s32 $0x2000, s1  }
0xe6: {  	s4 =	sadd.s32 s2, s1  }
0xe7: {  	[tilespmem:s3], [sflag:$0x1] =	stream.linear.gather [hbm4b:s4+s3], $0x2000, $0x38;
	[tilespmem:$0x14080] =	vst v63  }
0xe8: {  	s9 =	simm.s32 $0x2000;
	s1 =	sadd.s32 s1, s5  }
0xe9: {  	[tilespmem:s9], [sflag:$0x1] =	stream.linear.gather [hbm4b:s1+s3], $0x2000, $0x38;
	[tilespmem:$0x14080] =	vst v63  }
0xea: {  	_ =	swait.ge [sflag:s30], $0x4000  }
0xeb: {  	[sflag:s30] =	ssyncset.done $0x0  }
0xec: {  	s10 =	simm.s32 $0x4040;
	[sflag:s30] =	ssyncadd.s32 $0xFFFFC000  }
0xed: {  	v4 =	vld [tilespmem:s10+$0xFFFFFFC0]  }
0xee: {  	v5 =	vld [tilespmem:s10+$0xFFFFFFD0]  }
0xef: {  	v6 =	vld [tilespmem:s10+$0x0]  }
0xf0: {  	v10 =	vld [tilespmem:s10+$0x10]  }
0xf1: {  	v11 =	vld [tilespmem:s10+$0xFFFFFFE0]  }
0xf2: {  	s11 =	sadd.s32 $0xFFFFFF90, s17;
	s4 =	simm.s32 $0x40C0;
	v12 =	vld [tilespmem:s10+$0xFFFFFFF0]  }
0xf3: {  	v7 =	vlaneseq.u32;
	s7 =	sadd.s32 $0xFFFFFFC0, s17;
	s14 =	sadd.s32 $0xFFFFFFA0, s17;
	v9 =	vor.u32 s11, v1;
	v28 =	vld [tilespmem:s4+$0xFFFFFFE0]  }
0xf4: {  	s20 =	sadd.s32 $0xFFFFFFE0, s17;
	v14 =	vor.u32 s7, v1;
	v15 =	vor.u32 s14, v1;
	vm5 =	veq.f32 v4, $0.0e+00  }
0xf5: {  	v18 =	vor.u32 s20, v1;
	vm4 =	veq.f32 v5, $0.0e+00;
	v4 =	vsel vm5, $0x0, v0  }
0xf6: {  	s15 =	sadd.s32 $0xFFFFFFB0, s17;
	vm1 =	veq.f32 v6, $0.0e+00;
	vm2 =	veq.f32 v10, $0.0e+00;
	v4 =	vadd.s32 v7, v4  }
0xf7: {  	v27 =	vld [tilespmem:s4+$0xFFFFFFD0];
	vm7 =	veq.f32 v11, $0.0e+00;
	vm6 =	veq.f32 v12, $0.0e+00;
	v12 =	vor.u32 s15, v1  }
0xf8: {  	v5 =	vld [tilespmem:s10+$0x30];
	vm8 =	veq.f32 v28, $0.0e+00;
	v6 =	vsel vm4, $0x0, v0;
	v13 =	vsel vm1, $0x0, v0  }
0xf9: {  	[tilespmem:v7+s29+$0x0] =	vst.idx.msk $0xffff, v9;
	v17 =	vld [tilespmem:s10+$0x20];
	v11 =	vsel vm7, $0x0, v0;
	vm5 =	vmor vm0, vm5;
	v6 =	vadd.s32 v4, v6  }
0xfa: {  	v16 =	vsel vm6, $0x0, v0;
	v7 =	vld.idx.msk [tilespmem:v7+s29+$0x0], $0xffff;
	vm4 =	vmor vm5, vm4;
	v11 =	vadd.s32 v6, v11  }
0xfb: {  	v20 =	vld [tilespmem:s4+$0xFFFFFFC0];
	v10 =	vsel vm2, $0x0, v0;
	vm4 =	vmor vm4, vm7;
	v16 =	vadd.s32 v11, v16;
	[tilespmem:v4+s29+$0x0] =	vst.idx.msk $0xffff, v15  }
0xfc: {  	s7 =	sadd.s32 $0xFFFFFFD0, s17;
	vm7 =	veq.f32 v27, $0.0e+00;
	vm4 =	vmor vm4, vm6;
	v13 =	vadd.s32 v16, v13;
	v4 =	vld.idx.msk [tilespmem:v4+s29+$0x0], $0xffff  }
0xfd: {  	v23 =	vld [tilespmem:s4+$0x0];
	vm3 =	veq.f32 v5, $0.0e+00;
	v5 =	vor.u32 s7, v1;
	v21 =	vadd.s32 v13, v10  }
0xfe: {  	v24 =	vld [tilespmem:s4+$0x30];
	vm1 =	vmor vm4, vm1;
	vm4 =	veq.f32 v17, $0.0e+00;
	v19 =	vsel vm3, $0x0, v0;
	[tilespmem:v6+s29+$0x0] =	vst.idx.msk $0xffff, v12  }
0xff: {  	vm1 =	vmor vm1, vm2;
	v26 =	vsel vm4, $0x0, v0;
	v22 =	vxor.u32 v9, v7;
	v6 =	vld.idx.msk [tilespmem:v6+s29+$0x0], $0xffff  }
0x100: {  	s9 =	sadd.s32 $0xFFFFFFF0, s17;
	v25 =	vld [tilespmem:s4+$0x10];
	s10 =	sadd.s32 $0x80, s17;
	vm2 =	veq.f32 v20, $0.0e+00;
	v17 =	vor.u32 v8, v22;
	v20 =	vadd.s32 v21, v26  }
0x101: {  	s11 =	sadd.s32 $0xFFFFFF90, s10;
	v22 =	vld [tilespmem:s4+$0xFFFFFFF0];
	v19 =	vadd.s32 v20, v19;
	[tilespmem:v16+s29+$0x0] =	vst.idx.msk $0xffff, v5;
	v15 =	vxor.u32 v15, v4;
	v4 =	vor.u32 s9, v1  }
0x102: {  	s8 =	sadd.s32 $0xFFFFFFC0, s10;
	v10 =	vor.u32 s11, v1;
	vm4 =	vmor vm1, vm4;
	vm1 =	veq.f32 v23, $0.0e+00;
	v30 =	vld.idx.msk [tilespmem:v16+s29+$0x0], $0xffff;
	[tilespmem:v21+s29+$0x0] =	vst.idx.msk $0xffff, v4  }
0x103: {  	v7 =	vor.u32 s8, v1;
	vm5 =	vmor vm4, vm3;
	v29 =	vsel vm1, $0x0, v0;
	[tilespmem:v11+s29+$0x0] =	vst.idx.msk $0xffff, v14;
	v21 =	vld.idx.msk [tilespmem:v21+s29+$0x0], $0xffff  }
0x104: {  	v12 =	vxor.u32 v12, v6;
	v6 =	vsel vm2, $0x0, v0;
	v15 =	vor.u32 v15, v17;
	v17 =	vld.idx.msk [tilespmem:v11+s29+$0x0], $0xffff  }
0x105: {  	s14 =	sadd.s32 $0xFFFFFFA0, s10;
	vm3 =	veq.f32 v25, $0.0e+00;
	vm4 =	veq.f32 v24, $0.0e+00;
	[tilespmem:v13+s29+$0x0] =	vst.idx.msk $0xffff, v18;
	v26 =	vadd.s32 v19, v6  }
0x106: {  	v23 =	vld.idx.msk [tilespmem:v13+s29+$0x0], $0xffff;
	v13 =	vor.u32 s14, v1;
	vm6 =	veq.f32 v22, $0.0e+00;
	[tilespmem:v19+s29+$0x0] =	vst.idx.msk $0xffff, v10;
	v6 =	vor.u32 s17, v1  }
0x107: {  	v11 =	vsel vm7, $0x0, v0;
	v25 =	vor.u32 v12, v15;
	v15 =	vsel vm8, $0x0, v0;
	v22 =	vld.idx.msk [tilespmem:v19+s29+$0x0], $0xffff;
	[tilespmem:v20+s29+$0x0] =	vst.idx.msk $0xffff, v6  }
0x108: {  	v19 =	vxor.u32 v5, v30;
	v24 =	vld.idx.msk [tilespmem:v20+s29+$0x0], $0xffff;
	v16 =	vxor.u32 v4, v21;
	v21 =	vadd.s32 v26, v11  }
0x109: {  	v20 =	vsel vm6, $0x0, v0;
	v17 =	vxor.u32 v14, v17;
	v15 =	vadd.s32 v21, v15  }
0x10a: {  	s15 =	sadd.s32 $0xFFFFFFB0, s10;
	v27 =	vsel vm3, $0x0, v0;
	[tilespmem:v26+s29+$0x0] =	vst.idx.msk $0xffff, v13;
	v14 =	vadd.s32 v15, v20;
	v20 =	vor.u32 v17, v25  }
0x10b: {  	s20 =	sadd.s32 $0xFFFFFFE0, s10;
	v12 =	vor.u32 s15, v1;
	v63 =	vxor.u32 v18, v23;
	v25 =	vor.u32 v19, v20;
	v20 =	vld.idx.msk [tilespmem:v26+s29+$0x0], $0xffff  }
0x10c: {  	s1 =	sadd.s32 $0xFFFFFFD0, s10;
	s8 =	sadd.s32 $0x80, s10;
	s14 =	smov.u32 s10;
	v23 =	vsel vm4, $0x0, v0;
	v11 =	vor.u32 s20, v1;
	v17 =	vadd.s32 v14, v29  }
0x10d: {  	s9 =	simm.s32 $0x8;
	s15 =	sor.u32 $0x4000, s13;
	v18 =	vld [tilespmem:s4+$0x20];
	s4 =	simm.s32 $0x4140;
	v24 =	vxor.u32 v6, v24;
	v19 =	vadd.s32 v17, v27;
	v25 =	vor.u32 v63, v25  }
.LBB2_9:
0x10e: {  	v26 =	vld [tilespmem:s4+$0xFFFFFFC0];
	s7 =	sadd.s32 $0xFFFFFF90, s8;
	s20 =	sadd.s32 $0xFFFFFFC0, s8;
	s9 =	sadd.s32 $0x8, s9;
	v22 =	vxor.u32 v10, v22;
	vm2 =	vmor vm5, vm2;
	[tilespmem:v21+s29+$0x0] =	vst.idx.msk $0xffff, v12;
	v27 =	vor.u32 s1, v1  }
0x10f: {  	v16 =	vor.u32 v16, v25;
	v10 =	vor.u32 s7, v1;
	v28 =	vor.u32 s20, v1;
	p0 =	slt.u32 s9, $0x3F8;
	v21 =	vld.idx.msk [tilespmem:v21+s29+$0x0], $0xffff;
	[tilespmem:v15+s29+$0x0] =	vst.idx.msk $0xffff, v7  }
0x110: {  	v13 =	vxor.u32 v13, v20;
	s1 =	sadd.s32 $0xFFFFFFF0, s14;
	vm2 =	vmor vm2, vm7;
	v16 =	vor.u32 v24, v16;
	v25 =	vld [tilespmem:s4+$0x0];
	[tilespmem:v14+s29+$0x0] =	vst.idx.msk $0xffff, v27  }
0x111: {  	v24 =	vor.u32 s1, v1;
	vm2 =	vmor vm2, vm8;
	v16 =	vor.u32 v16, v22;
	v20 =	vld [tilespmem:s4+$0x30];
	[tilespmem:v17+s29+$0x0] =	vst.idx.msk $0xffff, v11  }
0x112: {  	vm2 =	vmor vm2, vm6;
	v22 =	vld [tilespmem:s4+$0x10];
	[tilespmem:v19+s29+$0x0] =	vst.idx.msk $0xffff, v24  }
0x113: {  	vm5 =	veq.f32 v18, $0.0e+00;
	vm1 =	vmor vm2, vm1;
	v29 =	vld [tilespmem:s4+$0xFFFFFFF0]  }
0x114: {  	v30 =	vsel vm5, $0x0, v0;
	vm1 =	vmor vm1, vm3;
	v18 =	vld [tilespmem:s4+$0xFFFFFFD0]  }
0x115: {  	vm2 =	veq.f32 v26, $0.0e+00;
	v12 =	vxor.u32 v12, v21;
	v21 =	vld.idx.msk [tilespmem:v19+s29+$0x0], $0xffff;
	v19 =	vadd.s32 v19, v30  }
0x116: {  	v26 =	vsel vm2, $0x0, v0;
	vm3 =	vmor vm1, vm5;
	v17 =	vld.idx.msk [tilespmem:v17+s29+$0x0], $0xffff;
	v23 =	vadd.s32 v19, v23  }
0x117: {  	vm1 =	veq.f32 v25, $0.0e+00;
	vm5 =	vmor vm3, vm4;
	v26 =	vadd.s32 v23, v26;
	v30 =	vld [tilespmem:s4+$0xFFFFFFE0]  }
0x118: {  	v32 =	vor.u32 s14, v1;
	s14 =	smov.u32 s8;
	s1 =	sadd.s32 $0xFFFFFFA0, s8;
	v25 =	vsel vm1, $0x0, v0;
	v31 =	vld.idx.msk [tilespmem:v15+s29+$0x0], $0xffff;
	v15 =	vor.u32 v13, v16  }
0x119: {  	vm3 =	veq.f32 v22, $0.0e+00;
	v13 =	vor.u32 s1, v1;
	v33 =	vld.idx.msk [tilespmem:v14+s29+$0x0], $0xffff;
	v34 =	vor.u32 v12, v15  }
0x11a: {  	s1 =	sadd.s32 $0xFFFFFFB0, s8;
	vm6 =	veq.f32 v29, $0.0e+00;
	v29 =	vsel vm3, $0x0, v0;
	vm7 =	veq.f32 v18, $0.0e+00;
	v18 =	vld [tilespmem:s4+$0x20];
	[tilespmem:v19+s29+$0x0] =	vst.idx.msk $0xffff, v32  }
0x11b: {  	vm4 =	veq.f32 v20, $0.0e+00;
	v12 =	vor.u32 s1, v1;
	v16 =	vxor.u32 v24, v21;
	[tilespmem:v23+s29+$0x0] =	vst.idx.msk $0xffff, v10;
	v24 =	vld.idx.msk [tilespmem:v19+s29+$0x0], $0xffff  }
0x11c: {  	s1 =	sadd.s32 $0xFFFFFFE0, s8;
	v14 =	vsel vm7, $0x0, v0;
	v19 =	vsel vm6, $0x0, v0;
	v22 =	vld.idx.msk [tilespmem:v23+s29+$0x0], $0xffff;
	[tilespmem:v26+s29+$0x0] =	vst.idx.msk $0xffff, v13;
	vm8 =	veq.f32 v30, $0.0e+00  }
.Ltmp7:
0x11d: {  	v21 =	vadd.s32 v26, v14;
	v23 =	vor.u32 s1, v1;
	v20 =	vld.idx.msk [tilespmem:v26+s29+$0x0], $0xffff;
	v14 =	vsel vm8, $0x0, v0;
	(pc) =	sbr.rel @p0 .LBB2_9-.Ltmp7, $4  }
0x11e: {  	v30 =	vxor.u32 v11, v17;
	v26 =	vxor.u32 v7, v31;
	v7 =	vmovc v28;
	v15 =	vadd.s32 v21, v14  }
0x11f: {  	v11 =	vmovc v23;
	v26 =	vor.u32 v26, v34;
	v14 =	vadd.s32 v15, v19;
	v19 =	vxor.u32 v27, v33  }
0x120: {  	v23 =	vsel vm4, $0x0, v0;
	v17 =	vadd.s32 v14, v25;
	v25 =	vor.u32 v19, v26  }
0x121: {  	s8 =	sadd.s32 $0x80, s8;
	s4 =	sadd.s32 $0x80, s4;
	s1 =	sadd.s32 $0xFFFFFFD0, s14;
	v24 =	vxor.u32 v32, v24;
	v19 =	vadd.s32 v17, v29;
	v25 =	vor.u32 v30, v25  }
0x122: {  	vm2 =	vmor vm5, vm2  }
0x123: {  	vm2 =	vmor vm2, vm7  }
0x124: {  	vm2 =	vmor vm2, vm8  }
0x125: {  	vm2 =	vmor vm2, vm6  }
0x126: {  	vm1 =	vmor vm2, vm1  }
0x127: {  	vm2 =	veq.f32 v18, $0.0e+00;
	vm1 =	vmor vm1, vm3  }
0x128: {  	vm1 =	vmor vm1, vm2  }
0x129: {  	vm1 =	vmor vm1, vm4  }
0x12a: {  	v56 =	vsel vm1, $0x3F800000, v2  }
0x12b: {  	(xrf0) =	vmax.scan.msk.f32 $0xffff, v56;
	_ =	sdelay $0x5  }
0x12c: {  	v18, _, _ =	vpop (xrf0)  }
0x12d: {  	(v2sf) =	vpush v18, $0xF;
	_ =	sdelay $0x7  }
0x12e: {  	v57 =	vsel vm2, $0x0, v0  }
0x12f: {  	[tilespmem:v21+s29+$0x0] =	vst.idx.msk $0xffff, v12;
	v18 =	vadd.s32 v19, v57  }
0x130: {  	v23 =	vor.u32 s1, v1;
	[tilespmem:v15+s29+$0x0] =	vst.idx.msk $0xffff, v7;
	v21 =	vld.idx.msk [tilespmem:v21+s29+$0x0], $0xffff  }
0x131: {  	v10 =	vxor.u32 v10, v22;
	s9 =	sadd.s32 $0xFFFFFFF0, s14;
	[tilespmem:v14+s29+$0x0] =	vst.idx.msk $0xffff, v23;
	v15 =	vld.idx.msk [tilespmem:v15+s29+$0x0], $0xffff  }
0x132: {  	v16 =	vor.u32 v16, v25;
	[tilespmem:v17+s29+$0x0] =	vst.idx.msk $0xffff, v11;
	v58 =	vor.u32 s9, v1;
	v14 =	vld.idx.msk [tilespmem:v14+s29+$0x0], $0xffff  }
0x133: {  	v59 =	vor.u32 s14, v1;
	v16 =	vor.u32 v24, v16;
	v17 =	vld.idx.msk [tilespmem:v17+s29+$0x0], $0xffff;
	[tilespmem:v19+s29+$0x0] =	vst.idx.msk $0xffff, v58  }
0x134: {  	v13 =	vxor.u32 v13, v20;
	v10 =	vor.u32 v16, v10;
	v60 =	vld.idx.msk [tilespmem:v19+s29+$0x0], $0xffff;
	[tilespmem:v18+s29+$0x0] =	vst.idx.msk $0xffff, v59  }
0x135: {  	v10 =	vor.u32 v13, v10;
	v61 =	vxor.u32 v12, v21;
	v62 =	vld.idx.msk [tilespmem:v18+s29+$0x0], $0xffff;
	s20 =	spop (v2sf)  }
0x136: {  	v7 =	vxor.u32 v7, v15;
	v10 =	vor.u32 v61, v10;
	p0 =	sgt.f32 s20, $0.0e+00  }
.Ltmp8:
0x137: {  	v63 =	vxor.u32 v23, v14;
	v7 =	vor.u32 v7, v10;
	(pc) =	sbr.rel @!p0 .LBB2_14-.Ltmp8, $4  }
0x138: {  	v10 =	vxor.u32 v11, v17;
	v7 =	vor.u32 v63, v7  }
0x139: {  	v11 =	vxor.u32 v58, v60;
	v7 =	vor.u32 v10, v7  }
0x13a: {  	v7 =	vor.u32 v11, v7;
	v10 =	vxor.u32 v59, v62  }
0x13b: {  	v7 =	vor.u32 v10, v7  }
0x13c: {  	s1 =	simm.s32 $0x4040  }
0x13d: {  	v7 =	vld [tilespmem:s1+$0xFFFFFFC0]  }
0x13e: {  	v10 =	vld [tilespmem:s1+$0xFFFFFFD0]  }
0x13f: {  	v11 =	vld [tilespmem:s1+$0xFFFFFFE0]  }
0x140: {  	v12 =	vld [tilespmem:s1+$0x30]  }
0x141: {  	v13 =	vld [tilespmem:s1+$0x10]  }
0x142: {  	s4 =	simm.s32 $0x40C0;
	v14 =	vld [tilespmem:s1+$0x0]  }
0x143: {  	v17 =	vld [tilespmem:s4+$0x30];
	vm1 =	vne.f32 v7, $0.0e+00  }
0x144: {  	v18 =	vld [tilespmem:s4+$0x0];
	v7 =	vlaneseq.u32;
	vm4 =	vne.f32 v10, $0.0e+00;
	v15 =	vsel vm1, $0x10, v3  }
0x145: {  	vm2 =	vne.f32 v11, $0.0e+00;
	v11 =	vadd.s32 v7, v15;
	v15 =	vsel vm4, $0x10, v3  }
0x146: {  	s9 =	sadd.s32 $0xFFFFFFA0, s17;
	s7 =	sadd.s32 $0xFFFFFFB0, s17;
	v10 =	vld [tilespmem:s1+$0xFFFFFFF0];
	v15 =	vadd.s32 v11, v15  }
0x147: {  	s20 =	sadd.s32 $0xFFFFFFC0, s17;
	v19 =	vor.u32 s9, v1;
	v21 =	vor.u32 s7, v1;
	vm3 =	vne.f32 v12, $0.0e+00;
	v12 =	vld [tilespmem:s4+$0x10]  }
0x148: {  	v16 =	vld [tilespmem:s1+$0x20];
	v27 =	vor.u32 s20, v1;
	vm5 =	vne.f32 v14, $0.0e+00;
	vm6 =	vne.f32 v13, $0.0e+00  }
0x149: {  	v26 =	vld [tilespmem:s4+$0xFFFFFFE0];
	vm9 =	vne.f32 v18, $0.0e+00;
	vm11 =	vne.f32 v17, $0.0e+00;
	v13 =	vsel vm6, $0x10, v3;
	[tilespmem:v7+s29+$0x0] =	vst.idx.msk vm1, v9  }
0x14a: {  	v14 =	vsel vm3, $0x10, v3;
	v20 =	vsel vm2, $0x10, v3;
	v24 =	vsel vm5, $0x10, v3;
	v22 =	vld.idx.msk [tilespmem:v7+s29+$0x0], vm1;
	[tilespmem:v11+s29+$0x0] =	vst.idx.msk vm4, v19  }
0x14b: {  	s14 =	sadd.s32 $0xFFFFFFE0, s17;
	vm10 =	vmmov vm3;
	vm12 =	vmmov vm2;
	vm5 =	vmmov vm5;
	v11 =	vld.idx.msk [tilespmem:v11+s29+$0x0], vm4;
	[tilespmem:v15+s29+$0x0] =	vst.idx.msk vm2, v21  }
0x14c: {  	vm7 =	vne.f32 v10, $0.0e+00;
	v10 =	vor.u32 s14, v1;
	vm8 =	vne.f32 v12, $0.0e+00;
	v25 =	vld.idx.msk [tilespmem:v15+s29+$0x0], vm2  }
0x14d: {  	v23 =	vsel vm7, $0x10, v3;
	vm3 =	vmmov vm7;
	v15 =	vadd.s32 v15, v20;
	v20 =	vld [tilespmem:s4+$0xFFFFFFC0]  }
0x14e: {  	vm2 =	vmmov vm6;
	vm6 =	vne.f32 v16, $0.0e+00;
	v16 =	vld [tilespmem:s4+$0xFFFFFFF0];
	v23 =	vadd.s32 v15, v23  }
0x14f: {  	v7 =	vor.u32 s11, v1;
	v9 =	vxor.u32 v9, v22;
	v22 =	vadd.s32 v23, v24  }
0x150: {  	v12 =	vsel vm6, $0x10, v3;
	v18 =	vnsel vm1, $0x0, v9;
	v24 =	vadd.s32 v22, v13  }
0x151: {  	v28 =	vld [tilespmem:s4+$0xFFFFFFD0];
	v9 =	vsel vm8, $0x10, v3;
	v13 =	vxor.u32 v19, v11;
	v11 =	vsel vm11, $0x10, v3  }
0x152: {  	v17 =	vxor.u32 v21, v25;
	[tilespmem:v15+s29+$0x0] =	vst.idx.msk vm7, v27;
	vm7 =	vne.f32 v26, $0.0e+00;
	v63 =	vadd.s32 v24, v12  }
0x153: {  	vm1 =	vne.f32 v20, $0.0e+00;
	vm14 =	vne.f32 v16, $0.0e+00;
	v19 =	vor.u32 v8, v18;
	v62 =	vld.idx.msk [tilespmem:v15+s29+$0x0], vm3;
	[tilespmem:v23+s29+$0x0] =	vst.idx.msk vm5, v5  }
0x154: {  	v15 =	vnsel vm4, $0x0, v13;
	v16 =	vadd.s32 v63, v14;
	v14 =	vsel vm1, $0x10, v3;
	v21 =	vld.idx.msk [tilespmem:v23+s29+$0x0], vm5  }
0x155: {  	v8 =	vsel vm9, $0x10, v3;
	v15 =	vor.u32 v15, v19;
	v19 =	vadd.s32 v16, v14;
	v14 =	vld [tilespmem:s4+$0x20];
	[tilespmem:v22+s29+$0x0] =	vst.idx.msk vm2, v10  }
0x156: {  	v12 =	vsel vm7, $0x10, v3;
	v20 =	vnsel vm12, $0x0, v17;
	vm4 =	vne.f32 v28, $0.0e+00;
	v17 =	vld.idx.msk [tilespmem:v22+s29+$0x0], vm2;
	[tilespmem:v24+s29+$0x0] =	vst.idx.msk vm6, v4  }
0x157: {  	s9 =	sadd.s32 $0x80, s10;
	v13 =	vsel vm14, $0x10, v3;
	vm12 =	vmmov vm10;
	v23 =	vsel vm4, $0x10, v3;
	v18 =	vld.idx.msk [tilespmem:v24+s29+$0x0], vm6;
	[tilespmem:v63+s29+$0x0] =	vst.idx.msk vm10, v6  }
0x158: {  	s1 =	sadd.s32 $0xFFFFFFB0, s10;
	s14 =	simm.s32 $0x4140;
	s11 =	simm.s32 $0x8;
	v22 =	vor.u32 v20, v15;
	v15 =	vadd.s32 v19, v23;
	v23 =	vxor.u32 v27, v62;
	v20 =	vld.idx.msk [tilespmem:v63+s29+$0x0], vm10  }
.LBB2_12:
0x159: {  	v25 =	vor.u32 s1, v1;
	v23 =	vnsel vm3, $0x0, v23;
	v5 =	vxor.u32 v5, v21  }
0x15a: {  	s4 =	sadd.s32 $0xFFFFFF90, s9;
	v24 =	vld [tilespmem:s14+$0x30];
	s11 =	sadd.s32 $0x8, s11;
	vm10 =	vmmov vm11;
	vm13 =	vmmov vm7;
	vm3 =	vmmov vm14  }
0x15b: {  	s1 =	sadd.s32 $0xFFFFFFA0, s10;
	v21 =	vor.u32 s4, v1;
	v26 =	vld [tilespmem:s14+$0x10];
	p0 =	slt.u32 s11, $0x3F8;
	v5 =	vnsel vm5, $0x0, v5;
	v22 =	vor.u32 v23, v22  }
0x15c: {  	v10 =	vxor.u32 v10, v17;
	v27 =	vor.u32 s1, v1;
	v23 =	vld [tilespmem:s14+$0x0];
	[tilespmem:v16+s29+$0x0] =	vst.idx.msk vm1, v7;
	v5 =	vor.u32 v5, v22  }
0x15d: {  	v10 =	vnsel vm2, $0x0, v10;
	v4 =	vxor.u32 v4, v18;
	vm5 =	vmmov vm9;
	v16 =	vld.idx.msk [tilespmem:v16+s29+$0x0], vm1;
	[tilespmem:v19+s29+$0x0] =	vst.idx.msk vm4, v27  }
0x15e: {  	vm2 =	vmmov vm8;
	v4 =	vnsel vm6, $0x0, v4;
	v5 =	vor.u32 v10, v5;
	v17 =	vld.idx.msk [tilespmem:v19+s29+$0x0], vm4;
	[tilespmem:v15+s29+$0x0] =	vst.idx.msk vm7, v25  }
0x15f: {  	s1 =	sadd.s32 $0xFFFFFFE0, s10;
	s4 =	sadd.s32 $0xFFFFFFF0, s10;
	v6 =	vxor.u32 v6, v20;
	v19 =	vor.u32 v4, v5;
	v18 =	vld.idx.msk [tilespmem:v15+s29+$0x0], vm7  }
0x160: {  	s7 =	sadd.s32 $0xFFFFFFD0, s10;
	v10 =	vor.u32 s1, v1;
	v4 =	vor.u32 s4, v1;
	v6 =	vnsel vm12, $0x0, v6;
	v20 =	vld [tilespmem:s14+$0xFFFFFFE0]  }
0x161: {  	v12 =	vadd.s32 v15, v12;
	s1 =	sadd.s32 $0xFFFFFFC0, s10;
	v5 =	vor.u32 s7, v1;
	v6 =	vor.u32 v6, v19;
	v22 =	vld [tilespmem:s14+$0xFFFFFFC0]  }
0x162: {  	v13 =	vadd.s32 v12, v13;
	vm6 =	vne.f32 v14, $0.0e+00;
	v28 =	vor.u32 s1, v1;
	v15 =	vld [tilespmem:s14+$0xFFFFFFD0]  }
0x163: {  	v8 =	vadd.s32 v13, v8;
	vm9 =	vne.f32 v23, $0.0e+00;
	v16 =	vxor.u32 v7, v16;
	v7 =	vmovc v21;
	v14 =	vld [tilespmem:s14+$0xFFFFFFF0]  }
0x164: {  	vm8 =	vne.f32 v26, $0.0e+00;
	v23 =	vadd.s32 v8, v9;
	v19 =	vnsel vm1, $0x0, v16  }
0x165: {  	vm11 =	vne.f32 v24, $0.0e+00;
	v9 =	vsel vm8, $0x10, v3;
	v16 =	vxor.u32 v25, v18  }
0x166: {  	v24 =	vsel vm11, $0x10, v3;
	v17 =	vxor.u32 v27, v17;
	v18 =	vsel vm6, $0x10, v3;
	[tilespmem:v12+s29+$0x0] =	vst.idx.msk vm3, v28  }
0x167: {  	vm7 =	vne.f32 v20, $0.0e+00;
	v25 =	vadd.s32 v23, v18;
	vm1 =	vne.f32 v22, $0.0e+00;
	v20 =	vld.idx.msk [tilespmem:v12+s29+$0x0], vm3;
	[tilespmem:v13+s29+$0x0] =	vst.idx.msk vm5, v5  }
0x168: {  	v12 =	vsel vm7, $0x10, v3;
	vm14 =	vne.f32 v14, $0.0e+00;
	v14 =	vnsel vm4, $0x0, v17;
	v21 =	vld.idx.msk [tilespmem:v13+s29+$0x0], vm5;
	[tilespmem:v8+s29+$0x0] =	vst.idx.msk vm2, v10  }
.Ltmp9:
0x169: {  	v22 =	vnsel vm13, $0x0, v16;
	v16 =	vadd.s32 v25, v11;
	v13 =	vsel vm14, $0x10, v3;
	v17 =	vld.idx.msk [tilespmem:v8+s29+$0x0], vm2;
	[tilespmem:v23+s29+$0x0] =	vst.idx.msk vm6, v4;
	(pc) =	sbr.rel @p0 .LBB2_12-.Ltmp9, $4  }
0x16a: {  	v19 =	vor.u32 v6, v19;
	v11 =	vmovc v24;
	v26 =	vsel vm1, $0x10, v3;
	v8 =	vsel vm9, $0x10, v3;
	v18 =	vld.idx.msk [tilespmem:v23+s29+$0x0], vm6  }
0x16b: {  	v6 =	vor.u32 s10, v1;
	s10 =	smov.u32 s9;
	vm4 =	vne.f32 v15, $0.0e+00;
	v15 =	vor.u32 v14, v19  }
0x16c: {  	v19 =	vadd.s32 v16, v26;
	v23 =	vsel vm4, $0x10, v3;
	v22 =	vor.u32 v22, v15;
	v14 =	vld [tilespmem:s14+$0x20];
	[tilespmem:v25+s29+$0x0] =	vst.idx.msk vm10, v6  }
0x16d: {  	vm12 =	vmmov vm10;
	s9 =	sadd.s32 $0x80, s9;
	s1 =	sadd.s32 $0xFFFFFFB0, s10;
	v15 =	vadd.s32 v19, v23;
	s14 =	sadd.s32 $0x80, s14;
	v23 =	vxor.u32 v28, v20;
	v20 =	vld.idx.msk [tilespmem:v25+s29+$0x0], vm10  }
0x16e: {  	_ =	sdelay $0x1  }
0x16f: {  	v11 =	vor.u32 s1, v1;
	v23 =	vnsel vm3, $0x0, v23  }
0x170: {  	v5 =	vxor.u32 v5, v21;
	vm3 =	vmmov vm11;
	vm10 =	vmmov vm14  }
0x171: {  	s11 =	sadd.s32 $0xFFFFFFA0, s10;
	v10 =	vxor.u32 v10, v17;
	v12 =	vadd.s32 v15, v12;
	v5 =	vnsel vm5, $0x0, v5  }
0x172: {  	[tilespmem:v16+s29+$0x0] =	vst.idx.msk vm1, v7;
	s14 =	sadd.s32 $0xFFFFFFC0, s10;
	v54 =	vor.u32 v23, v22;
	v55 =	vor.u32 s11, v1;
	v10 =	vnsel vm2, $0x0, v10  }
0x173: {  	v16 =	vld.idx.msk [tilespmem:v16+s29+$0x0], vm1;
	v4 =	vxor.u32 v4, v18;
	v13 =	vadd.s32 v12, v13;
	v58 =	vor.u32 s14, v1  }
0x174: {  	[tilespmem:v15+s29+$0x0] =	vst.idx.msk vm7, v11;
	v5 =	vor.u32 v5, v54;
	v8 =	vadd.s32 v13, v8;
	vm15 =	vne.f32 v14, $0.0e+00  }
0x175: {  	[tilespmem:v19+s29+$0x0] =	vst.idx.msk vm4, v55;
	v4 =	vnsel vm6, $0x0, v4;
	v15 =	vld.idx.msk [tilespmem:v15+s29+$0x0], vm7;
	v9 =	vadd.s32 v8, v9;
	v57 =	vsel vm15, $0x10, v3  }
0x176: {  	s4 =	sadd.s32 $0xFFFFFFD0, s10;
	v56 =	vld.idx.msk [tilespmem:v19+s29+$0x0], vm4;
	v5 =	vor.u32 v10, v5;
	v6 =	vxor.u32 v6, v20;
	v10 =	vadd.s32 v9, v57  }
0x177: {  	s20 =	sadd.s32 $0xFFFFFFE0, s10;
	v4 =	vor.u32 v4, v5;
	v5 =	vnsel vm12, $0x0, v6;
	v6 =	vor.u32 s4, v1;
	[tilespmem:v12+s29+$0x0] =	vst.idx.msk vm14, v58  }
0x178: {  	vm13 =	vmmov vm8;
	s7 =	sadd.s32 $0xFFFFFFF0, s10;
	v59 =	vor.u32 s20, v1;
	v4 =	vor.u32 v5, v4;
	v5 =	vld.idx.msk [tilespmem:v12+s29+$0x0], vm14;
	[tilespmem:v13+s29+$0x0] =	vst.idx.msk vm9, v6  }
0x179: {  	v63 =	vor.u32 s10, v1;
	vm2 =	vmmov vm9;
	v60 =	vor.u32 s7, v1;
	v61 =	vld.idx.msk [tilespmem:v13+s29+$0x0], vm9;
	[tilespmem:v8+s29+$0x0] =	vst.idx.msk vm8, v59  }
0x17a: {  	v7 =	vxor.u32 v7, v16;
	v11 =	vxor.u32 v11, v15;
	v8 =	vld.idx.msk [tilespmem:v8+s29+$0x0], vm8;
	[tilespmem:v9+s29+$0x0] =	vst.idx.msk vm15, v60  }
0x17b: {  	v7 =	vnsel vm1, $0x0, v7;
	vm1 =	vmmov vm7;
	v62 =	vxor.u32 v55, v56;
	v9 =	vld.idx.msk [tilespmem:v9+s29+$0x0], vm15;
	[tilespmem:v10+s29+$0x0] =	vst.idx.msk vm3, v63  }
0x17c: {  	v4 =	vor.u32 v4, v7;
	v7 =	vnsel vm1, $0x0, v11;
	v13 =	vnsel vm4, $0x0, v62;
	v10 =	vld.idx.msk [tilespmem:v10+s29+$0x0], vm3  }
0x17d: {  	vm1 =	vmmov vm3;
	v4 =	vor.u32 v13, v4;
	v5 =	vxor.u32 v58, v5  }
0x17e: {  	v4 =	vor.u32 v7, v4;
	v5 =	vnsel vm10, $0x0, v5;
	v6 =	vxor.u32 v6, v61  }
0x17f: {  	v6 =	vnsel vm2, $0x0, v6;
	v4 =	vor.u32 v5, v4;
	v5 =	vxor.u32 v59, v8  }
0x180: {  	v4 =	vor.u32 v6, v4;
	v5 =	vnsel vm13, $0x0, v5;
	v6 =	vxor.u32 v60, v9  }
0x181: {  	v4 =	vor.u32 v5, v4;
	v6 =	vnsel vm15, $0x0, v6;
	v5 =	vxor.u32 v63, v10  }
0x182: {  	v4 =	vor.u32 v6, v4;
	v5 =	vnsel vm1, $0x0, v5  }
0x183: {  	v7 =	vor.u32 v5, v4  }
.LBB2_14:
0x184: {  	s1 =	smin.u32 s15, $0xFEC000  }
0x185: {  	s1 =	sshrl.u32 s1, $0x3  }
0x186: {  	s1 =	sadd.s32 $0x2000, s1  }
0x187: {  	s4 =	sadd.s32 s2, s1  }
0x188: {  	[tilespmem:s21], [sflag:$0x2] =	stream.linear.gather [hbm4b:s4+s3], $0x2000, $0x38;
	[tilespmem:$0x14080] =	vst v63  }
0x189: {  	s1 =	sadd.s32 s1, s5  }
0x18a: {  	[tilespmem:s22], [sflag:$0x2] =	stream.linear.gather [hbm4b:s1+s3], $0x2000, $0x38;
	[tilespmem:$0x14080] =	vst v63  }
0x18b: {  	_ =	swait.ge [sflag:s31], $0x4000  }
0x18c: {  	[sflag:s31] =	ssyncset.done $0x0  }
0x18d: {  	s10 =	simm.s32 $0x8040;
	[sflag:s31] =	ssyncadd.s32 $0xFFFFC000  }
0x18e: {  	v4 =	vld [tilespmem:s10+$0xFFFFFFC0]  }
0x18f: {  	v5 =	vld [tilespmem:s10+$0xFFFFFFD0]  }
0x190: {  	v6 =	vld [tilespmem:s10+$0x0]  }
0x191: {  	v10 =	vld [tilespmem:s10+$0x10]  }
0x192: {  	v11 =	vld [tilespmem:s10+$0xFFFFFFE0]  }
0x193: {  	s11 =	sadd.s32 $0xFFFFFF90, s18;
	s4 =	simm.s32 $0x80C0;
	v12 =	vld [tilespmem:s10+$0xFFFFFFF0]  }
0x194: {  	v8 =	vlaneseq.u32;
	s7 =	sadd.s32 $0xFFFFFFC0, s18;
	s14 =	sadd.s32 $0xFFFFFFA0, s18;
	v9 =	vor.u32 s11, v1;
	v28 =	vld [tilespmem:s4+$0xFFFFFFE0]  }
0x195: {  	s20 =	sadd.s32 $0xFFFFFFE0, s18;
	v14 =	vor.u32 s7, v1;
	v15 =	vor.u32 s14, v1;
	vm5 =	veq.f32 v4, $0.0e+00  }
0x196: {  	v18 =	vor.u32 s20, v1;
	vm4 =	veq.f32 v5, $0.0e+00;
	v4 =	vsel vm5, $0x0, v0  }
0x197: {  	s15 =	sadd.s32 $0xFFFFFFB0, s18;
	vm1 =	veq.f32 v6, $0.0e+00;
	vm2 =	veq.f32 v10, $0.0e+00;
	v4 =	vadd.s32 v8, v4  }
0x198: {  	v27 =	vld [tilespmem:s4+$0xFFFFFFD0];
	vm7 =	veq.f32 v11, $0.0e+00;
	vm6 =	veq.f32 v12, $0.0e+00;
	v12 =	vor.u32 s15, v1  }
0x199: {  	v5 =	vld [tilespmem:s10+$0x30];
	vm8 =	veq.f32 v28, $0.0e+00;
	v6 =	vsel vm4, $0x0, v0;
	v13 =	vsel vm1, $0x0, v0  }
0x19a: {  	[tilespmem:v8+s29+$0x0] =	vst.idx.msk $0xffff, v9;
	v17 =	vld [tilespmem:s10+$0x20];
	v11 =	vsel vm7, $0x0, v0;
	vm5 =	vmor vm0, vm5;
	v6 =	vadd.s32 v4, v6  }
0x19b: {  	v16 =	vsel vm6, $0x0, v0;
	v8 =	vld.idx.msk [tilespmem:v8+s29+$0x0], $0xffff;
	vm4 =	vmor vm5, vm4;
	v11 =	vadd.s32 v6, v11  }
0x19c: {  	v20 =	vld [tilespmem:s4+$0xFFFFFFC0];
	v10 =	vsel vm2, $0x0, v0;
	vm4 =	vmor vm4, vm7;
	v16 =	vadd.s32 v11, v16;
	[tilespmem:v4+s29+$0x0] =	vst.idx.msk $0xffff, v15  }
0x19d: {  	s7 =	sadd.s32 $0xFFFFFFD0, s18;
	vm7 =	veq.f32 v27, $0.0e+00;
	vm4 =	vmor vm4, vm6;
	v13 =	vadd.s32 v16, v13;
	v4 =	vld.idx.msk [tilespmem:v4+s29+$0x0], $0xffff  }
0x19e: {  	v23 =	vld [tilespmem:s4+$0x0];
	vm3 =	veq.f32 v5, $0.0e+00;
	v5 =	vor.u32 s7, v1;
	v21 =	vadd.s32 v13, v10  }
0x19f: {  	v24 =	vld [tilespmem:s4+$0x30];
	vm1 =	vmor vm4, vm1;
	vm4 =	veq.f32 v17, $0.0e+00;
	v19 =	vsel vm3, $0x0, v0;
	[tilespmem:v6+s29+$0x0] =	vst.idx.msk $0xffff, v12  }
0x1a0: {  	vm1 =	vmor vm1, vm2;
	v26 =	vsel vm4, $0x0, v0;
	v22 =	vxor.u32 v9, v8;
	v6 =	vld.idx.msk [tilespmem:v6+s29+$0x0], $0xffff  }
0x1a1: {  	s9 =	sadd.s32 $0xFFFFFFF0, s18;
	s14 =	sadd.s32 $0x80, s18;
	v25 =	vld [tilespmem:s4+$0x10];
	vm2 =	veq.f32 v20, $0.0e+00;
	v17 =	vor.u32 v7, v22;
	v20 =	vadd.s32 v21, v26  }
0x1a2: {  	s11 =	sadd.s32 $0xFFFFFF90, s14;
	v22 =	vld [tilespmem:s4+$0xFFFFFFF0];
	v19 =	vadd.s32 v20, v19;
	[tilespmem:v16+s29+$0x0] =	vst.idx.msk $0xffff, v5;
	v15 =	vxor.u32 v15, v4;
	v4 =	vor.u32 s9, v1  }
0x1a3: {  	s8 =	sadd.s32 $0xFFFFFFC0, s14;
	v10 =	vor.u32 s11, v1;
	vm4 =	vmor vm1, vm4;
	vm1 =	veq.f32 v23, $0.0e+00;
	v30 =	vld.idx.msk [tilespmem:v16+s29+$0x0], $0xffff;
	[tilespmem:v21+s29+$0x0] =	vst.idx.msk $0xffff, v4  }
0x1a4: {  	v8 =	vor.u32 s8, v1;
	vm5 =	vmor vm4, vm3;
	v29 =	vsel vm1, $0x0, v0;
	[tilespmem:v11+s29+$0x0] =	vst.idx.msk $0xffff, v14;
	v21 =	vld.idx.msk [tilespmem:v21+s29+$0x0], $0xffff  }
0x1a5: {  	v12 =	vxor.u32 v12, v6;
	v6 =	vsel vm2, $0x0, v0;
	v15 =	vor.u32 v15, v17;
	v17 =	vld.idx.msk [tilespmem:v11+s29+$0x0], $0xffff  }
0x1a6: {  	s10 =	sadd.s32 $0xFFFFFFA0, s14;
	vm3 =	veq.f32 v25, $0.0e+00;
	vm4 =	veq.f32 v24, $0.0e+00;
	[tilespmem:v13+s29+$0x0] =	vst.idx.msk $0xffff, v18;
	v26 =	vadd.s32 v19, v6  }
0x1a7: {  	v23 =	vld.idx.msk [tilespmem:v13+s29+$0x0], $0xffff;
	v13 =	vor.u32 s10, v1;
	vm6 =	veq.f32 v22, $0.0e+00;
	[tilespmem:v19+s29+$0x0] =	vst.idx.msk $0xffff, v10;
	v6 =	vor.u32 s18, v1  }
0x1a8: {  	v11 =	vsel vm7, $0x0, v0;
	v25 =	vor.u32 v12, v15;
	v15 =	vsel vm8, $0x0, v0;
	v22 =	vld.idx.msk [tilespmem:v19+s29+$0x0], $0xffff;
	[tilespmem:v20+s29+$0x0] =	vst.idx.msk $0xffff, v6  }
0x1a9: {  	v19 =	vxor.u32 v5, v30;
	v24 =	vld.idx.msk [tilespmem:v20+s29+$0x0], $0xffff;
	v16 =	vxor.u32 v4, v21;
	v21 =	vadd.s32 v26, v11  }
0x1aa: {  	v20 =	vsel vm6, $0x0, v0;
	v17 =	vxor.u32 v14, v17;
	v15 =	vadd.s32 v21, v15  }
0x1ab: {  	s15 =	sadd.s32 $0xFFFFFFB0, s14;
	v27 =	vsel vm3, $0x0, v0;
	[tilespmem:v26+s29+$0x0] =	vst.idx.msk $0xffff, v13;
	v14 =	vadd.s32 v15, v20;
	v20 =	vor.u32 v17, v25  }
0x1ac: {  	s20 =	sadd.s32 $0xFFFFFFE0, s14;
	v12 =	vor.u32 s15, v1;
	v63 =	vxor.u32 v18, v23;
	v25 =	vor.u32 v19, v20;
	v20 =	vld.idx.msk [tilespmem:v26+s29+$0x0], $0xffff  }
0x1ad: {  	s1 =	sadd.s32 $0xFFFFFFD0, s14;
	s8 =	sadd.s32 $0x80, s14;
	s10 =	smov.u32 s14;
	v23 =	vsel vm4, $0x0, v0;
	v11 =	vor.u32 s20, v1;
	v17 =	vadd.s32 v14, v29  }
0x1ae: {  	s9 =	simm.s32 $0x8;
	s15 =	sor.u32 $0x8000, s13;
	v18 =	vld [tilespmem:s4+$0x20];
	s4 =	simm.s32 $0x8140;
	v24 =	vxor.u32 v6, v24;
	v19 =	vadd.s32 v17, v27;
	v25 =	vor.u32 v63, v25  }
.LBB2_15:
0x1af: {  	v26 =	vld [tilespmem:s4+$0xFFFFFFC0];
	s7 =	sadd.s32 $0xFFFFFF90, s8;
	s20 =	sadd.s32 $0xFFFFFFC0, s8;
	s9 =	sadd.s32 $0x8, s9;
	v22 =	vxor.u32 v10, v22;
	vm2 =	vmor vm5, vm2;
	[tilespmem:v21+s29+$0x0] =	vst.idx.msk $0xffff, v12;
	v27 =	vor.u32 s1, v1  }
0x1b0: {  	v16 =	vor.u32 v16, v25;
	v10 =	vor.u32 s7, v1;
	v28 =	vor.u32 s20, v1;
	p0 =	slt.u32 s9, $0x3F8;
	v21 =	vld.idx.msk [tilespmem:v21+s29+$0x0], $0xffff;
	[tilespmem:v15+s29+$0x0] =	vst.idx.msk $0xffff, v8  }
0x1b1: {  	v13 =	vxor.u32 v13, v20;
	s1 =	sadd.s32 $0xFFFFFFF0, s10;
	vm2 =	vmor vm2, vm7;
	v16 =	vor.u32 v24, v16;
	v25 =	vld [tilespmem:s4+$0x0];
	[tilespmem:v14+s29+$0x0] =	vst.idx.msk $0xffff, v27  }
0x1b2: {  	v24 =	vor.u32 s1, v1;
	vm2 =	vmor vm2, vm8;
	v16 =	vor.u32 v16, v22;
	v20 =	vld [tilespmem:s4+$0x30];
	[tilespmem:v17+s29+$0x0] =	vst.idx.msk $0xffff, v11  }
0x1b3: {  	vm2 =	vmor vm2, vm6;
	v22 =	vld [tilespmem:s4+$0x10];
	[tilespmem:v19+s29+$0x0] =	vst.idx.msk $0xffff, v24  }
0x1b4: {  	vm5 =	veq.f32 v18, $0.0e+00;
	vm1 =	vmor vm2, vm1;
	v29 =	vld [tilespmem:s4+$0xFFFFFFF0]  }
0x1b5: {  	v30 =	vsel vm5, $0x0, v0;
	vm1 =	vmor vm1, vm3;
	v18 =	vld [tilespmem:s4+$0xFFFFFFD0]  }
0x1b6: {  	vm2 =	veq.f32 v26, $0.0e+00;
	v12 =	vxor.u32 v12, v21;
	v21 =	vld.idx.msk [tilespmem:v19+s29+$0x0], $0xffff;
	v19 =	vadd.s32 v19, v30  }
0x1b7: {  	v26 =	vsel vm2, $0x0, v0;
	vm3 =	vmor vm1, vm5;
	v17 =	vld.idx.msk [tilespmem:v17+s29+$0x0], $0xffff;
	v23 =	vadd.s32 v19, v23  }
0x1b8: {  	vm1 =	veq.f32 v25, $0.0e+00;
	vm5 =	vmor vm3, vm4;
	v26 =	vadd.s32 v23, v26;
	v30 =	vld [tilespmem:s4+$0xFFFFFFE0]  }
0x1b9: {  	v32 =	vor.u32 s10, v1;
	s10 =	smov.u32 s8;
	s1 =	sadd.s32 $0xFFFFFFA0, s8;
	v25 =	vsel vm1, $0x0, v0;
	v31 =	vld.idx.msk [tilespmem:v15+s29+$0x0], $0xffff;
	v15 =	vor.u32 v13, v16  }
0x1ba: {  	vm3 =	veq.f32 v22, $0.0e+00;
	v13 =	vor.u32 s1, v1;
	v33 =	vld.idx.msk [tilespmem:v14+s29+$0x0], $0xffff;
	v34 =	vor.u32 v12, v15  }
0x1bb: {  	s1 =	sadd.s32 $0xFFFFFFB0, s8;
	vm6 =	veq.f32 v29, $0.0e+00;
	v29 =	vsel vm3, $0x0, v0;
	vm7 =	veq.f32 v18, $0.0e+00;
	v18 =	vld [tilespmem:s4+$0x20];
	[tilespmem:v19+s29+$0x0] =	vst.idx.msk $0xffff, v32  }
0x1bc: {  	vm4 =	veq.f32 v20, $0.0e+00;
	v12 =	vor.u32 s1, v1;
	v16 =	vxor.u32 v24, v21;
	[tilespmem:v23+s29+$0x0] =	vst.idx.msk $0xffff, v10;
	v24 =	vld.idx.msk [tilespmem:v19+s29+$0x0], $0xffff  }
0x1bd: {  	s1 =	sadd.s32 $0xFFFFFFE0, s8;
	v14 =	vsel vm7, $0x0, v0;
	v19 =	vsel vm6, $0x0, v0;
	v22 =	vld.idx.msk [tilespmem:v23+s29+$0x0], $0xffff;
	[tilespmem:v26+s29+$0x0] =	vst.idx.msk $0xffff, v13;
	vm8 =	veq.f32 v30, $0.0e+00  }
.Ltmp10:
0x1be: {  	v21 =	vadd.s32 v26, v14;
	v23 =	vor.u32 s1, v1;
	v20 =	vld.idx.msk [tilespmem:v26+s29+$0x0], $0xffff;
	v14 =	vsel vm8, $0x0, v0;
	(pc) =	sbr.rel @p0 .LBB2_15-.Ltmp10, $4  }
0x1bf: {  	v30 =	vxor.u32 v11, v17;
	v26 =	vxor.u32 v8, v31;
	v8 =	vmovc v28;
	v15 =	vadd.s32 v21, v14  }
0x1c0: {  	v11 =	vmovc v23;
	v26 =	vor.u32 v26, v34;
	v14 =	vadd.s32 v15, v19;
	v19 =	vxor.u32 v27, v33  }
0x1c1: {  	v23 =	vsel vm4, $0x0, v0;
	v17 =	vadd.s32 v14, v25;
	v25 =	vor.u32 v19, v26  }
0x1c2: {  	s8 =	sadd.s32 $0x80, s8;
	s4 =	sadd.s32 $0x80, s4;
	s1 =	sadd.s32 $0xFFFFFFD0, s10;
	v24 =	vxor.u32 v32, v24;
	v19 =	vadd.s32 v17, v29;
	v25 =	vor.u32 v30, v25  }
0x1c3: {  	vm2 =	vmor vm5, vm2  }
0x1c4: {  	vm2 =	vmor vm2, vm7  }
0x1c5: {  	vm2 =	vmor vm2, vm8  }
0x1c6: {  	vm2 =	vmor vm2, vm6  }
0x1c7: {  	vm1 =	vmor vm2, vm1  }
0x1c8: {  	vm2 =	veq.f32 v18, $0.0e+00;
	vm1 =	vmor vm1, vm3  }
0x1c9: {  	vm1 =	vmor vm1, vm2  }
0x1ca: {  	vm1 =	vmor vm1, vm4  }
0x1cb: {  	v56 =	vsel vm1, $0x3F800000, v2  }
0x1cc: {  	(xrf0) =	vmax.scan.msk.f32 $0xffff, v56;
	_ =	sdelay $0x5  }
0x1cd: {  	v18, _, _ =	vpop (xrf0)  }
0x1ce: {  	(v2sf) =	vpush v18, $0xF;
	_ =	sdelay $0x7  }
0x1cf: {  	v57 =	vsel vm2, $0x0, v0  }
0x1d0: {  	[tilespmem:v21+s29+$0x0] =	vst.idx.msk $0xffff, v12;
	v18 =	vadd.s32 v19, v57  }
0x1d1: {  	v23 =	vor.u32 s1, v1;
	[tilespmem:v15+s29+$0x0] =	vst.idx.msk $0xffff, v8;
	v21 =	vld.idx.msk [tilespmem:v21+s29+$0x0], $0xffff  }
0x1d2: {  	v10 =	vxor.u32 v10, v22;
	s9 =	sadd.s32 $0xFFFFFFF0, s10;
	[tilespmem:v14+s29+$0x0] =	vst.idx.msk $0xffff, v23;
	v15 =	vld.idx.msk [tilespmem:v15+s29+$0x0], $0xffff  }
0x1d3: {  	v16 =	vor.u32 v16, v25;
	[tilespmem:v17+s29+$0x0] =	vst.idx.msk $0xffff, v11;
	v58 =	vor.u32 s9, v1;
	v14 =	vld.idx.msk [tilespmem:v14+s29+$0x0], $0xffff  }
0x1d4: {  	v59 =	vor.u32 s10, v1;
	v16 =	vor.u32 v24, v16;
	v17 =	vld.idx.msk [tilespmem:v17+s29+$0x0], $0xffff;
	[tilespmem:v19+s29+$0x0] =	vst.idx.msk $0xffff, v58  }
0x1d5: {  	v13 =	vxor.u32 v13, v20;
	v10 =	vor.u32 v16, v10;
	v60 =	vld.idx.msk [tilespmem:v19+s29+$0x0], $0xffff;
	[tilespmem:v18+s29+$0x0] =	vst.idx.msk $0xffff, v59  }
0x1d6: {  	v10 =	vor.u32 v13, v10;
	v61 =	vxor.u32 v12, v21;
	v62 =	vld.idx.msk [tilespmem:v18+s29+$0x0], $0xffff;
	s20 =	spop (v2sf)  }
0x1d7: {  	v8 =	vxor.u32 v8, v15;
	v10 =	vor.u32 v61, v10;
	p0 =	sgt.f32 s20, $0.0e+00  }
.Ltmp11:
0x1d8: {  	v63 =	vxor.u32 v23, v14;
	v8 =	vor.u32 v8, v10;
	(pc) =	sbr.rel @!p0 .LBB2_20-.Ltmp11, $4  }
0x1d9: {  	v10 =	vxor.u32 v11, v17;
	v8 =	vor.u32 v63, v8  }
0x1da: {  	v11 =	vxor.u32 v58, v60;
	v8 =	vor.u32 v10, v8  }
0x1db: {  	v8 =	vor.u32 v11, v8;
	v10 =	vxor.u32 v59, v62  }
0x1dc: {  	v8 =	vor.u32 v10, v8  }
0x1dd: {  	s1 =	simm.s32 $0x8040  }
0x1de: {  	v8 =	vld [tilespmem:s1+$0xFFFFFFC0]  }
0x1df: {  	v10 =	vld [tilespmem:s1+$0xFFFFFFD0]  }
0x1e0: {  	v11 =	vld [tilespmem:s1+$0xFFFFFFE0]  }
0x1e1: {  	v12 =	vld [tilespmem:s1+$0x30]  }
0x1e2: {  	v13 =	vld [tilespmem:s1+$0x10]  }
0x1e3: {  	s4 =	simm.s32 $0x80C0;
	v14 =	vld [tilespmem:s1+$0x0]  }
0x1e4: {  	v17 =	vld [tilespmem:s4+$0x30];
	vm1 =	vne.f32 v8, $0.0e+00  }
0x1e5: {  	v18 =	vld [tilespmem:s4+$0x0];
	v8 =	vlaneseq.u32;
	vm4 =	vne.f32 v10, $0.0e+00;
	v15 =	vsel vm1, $0x10, v3  }
0x1e6: {  	vm2 =	vne.f32 v11, $0.0e+00;
	v11 =	vadd.s32 v8, v15;
	v15 =	vsel vm4, $0x10, v3  }
0x1e7: {  	s10 =	sadd.s32 $0xFFFFFFA0, s18;
	s7 =	sadd.s32 $0xFFFFFFB0, s18;
	v10 =	vld [tilespmem:s1+$0xFFFFFFF0];
	v15 =	vadd.s32 v11, v15  }
0x1e8: {  	s20 =	sadd.s32 $0xFFFFFFC0, s18;
	v19 =	vor.u32 s10, v1;
	v21 =	vor.u32 s7, v1;
	vm3 =	vne.f32 v12, $0.0e+00;
	v12 =	vld [tilespmem:s4+$0x10]  }
0x1e9: {  	v16 =	vld [tilespmem:s1+$0x20];
	v27 =	vor.u32 s20, v1;
	vm5 =	vne.f32 v14, $0.0e+00;
	vm6 =	vne.f32 v13, $0.0e+00  }
0x1ea: {  	v26 =	vld [tilespmem:s4+$0xFFFFFFE0];
	vm9 =	vne.f32 v18, $0.0e+00;
	vm11 =	vne.f32 v17, $0.0e+00;
	v13 =	vsel vm6, $0x10, v3;
	[tilespmem:v8+s29+$0x0] =	vst.idx.msk vm1, v9  }
0x1eb: {  	v14 =	vsel vm3, $0x10, v3;
	v20 =	vsel vm2, $0x10, v3;
	v24 =	vsel vm5, $0x10, v3;
	v22 =	vld.idx.msk [tilespmem:v8+s29+$0x0], vm1;
	[tilespmem:v11+s29+$0x0] =	vst.idx.msk vm4, v19  }
0x1ec: {  	vm10 =	vmmov vm3;
	vm12 =	vmmov vm2;
	vm7 =	vne.f32 v10, $0.0e+00;
	v11 =	vld.idx.msk [tilespmem:v11+s29+$0x0], vm4;
	[tilespmem:v15+s29+$0x0] =	vst.idx.msk vm2, v21  }
0x1ed: {  	vm5 =	vmmov vm5;
	vm8 =	vne.f32 v12, $0.0e+00;
	v23 =	vsel vm7, $0x10, v3;
	v25 =	vld.idx.msk [tilespmem:v15+s29+$0x0], vm2  }
0x1ee: {  	vm3 =	vmmov vm7;
	v8 =	vor.u32 s11, v1;
	v15 =	vadd.s32 v15, v20;
	v20 =	vld [tilespmem:s4+$0xFFFFFFC0]  }
0x1ef: {  	s11 =	sadd.s32 $0xFFFFFFE0, s18;
	vm2 =	vmmov vm6;
	vm6 =	vne.f32 v16, $0.0e+00;
	v16 =	vld [tilespmem:s4+$0xFFFFFFF0];
	v23 =	vadd.s32 v15, v23  }
0x1f0: {  	v10 =	vor.u32 s11, v1;
	v9 =	vxor.u32 v9, v22;
	v22 =	vadd.s32 v23, v24  }
0x1f1: {  	v12 =	vsel vm6, $0x10, v3;
	v18 =	vnsel vm1, $0x0, v9;
	v24 =	vadd.s32 v22, v13  }
0x1f2: {  	v28 =	vld [tilespmem:s4+$0xFFFFFFD0];
	v9 =	vsel vm8, $0x10, v3;
	v13 =	vxor.u32 v19, v11;
	v11 =	vsel vm11, $0x10, v3  }
0x1f3: {  	v17 =	vxor.u32 v21, v25;
	[tilespmem:v15+s29+$0x0] =	vst.idx.msk vm7, v27;
	vm7 =	vne.f32 v26, $0.0e+00;
	v63 =	vadd.s32 v24, v12  }
0x1f4: {  	vm1 =	vne.f32 v20, $0.0e+00;
	vm14 =	vne.f32 v16, $0.0e+00;
	v19 =	vor.u32 v7, v18;
	v62 =	vld.idx.msk [tilespmem:v15+s29+$0x0], vm3;
	[tilespmem:v23+s29+$0x0] =	vst.idx.msk vm5, v5  }
0x1f5: {  	v15 =	vnsel vm4, $0x0, v13;
	v16 =	vadd.s32 v63, v14;
	v14 =	vsel vm1, $0x10, v3;
	v21 =	vld.idx.msk [tilespmem:v23+s29+$0x0], vm5  }
0x1f6: {  	v7 =	vsel vm9, $0x10, v3;
	v15 =	vor.u32 v15, v19;
	v19 =	vadd.s32 v16, v14;
	v14 =	vld [tilespmem:s4+$0x20];
	[tilespmem:v22+s29+$0x0] =	vst.idx.msk vm2, v10  }
0x1f7: {  	v12 =	vsel vm7, $0x10, v3;
	v20 =	vnsel vm12, $0x0, v17;
	vm4 =	vne.f32 v28, $0.0e+00;
	v17 =	vld.idx.msk [tilespmem:v22+s29+$0x0], vm2;
	[tilespmem:v24+s29+$0x0] =	vst.idx.msk vm6, v4  }
0x1f8: {  	s9 =	sadd.s32 $0x80, s14;
	v13 =	vsel vm14, $0x10, v3;
	vm12 =	vmmov vm10;
	v23 =	vsel vm4, $0x10, v3;
	v18 =	vld.idx.msk [tilespmem:v24+s29+$0x0], vm6;
	[tilespmem:v63+s29+$0x0] =	vst.idx.msk vm10, v6  }
0x1f9: {  	s10 =	simm.s32 $0x8;
	s1 =	sadd.s32 $0xFFFFFFB0, s14;
	s11 =	simm.s32 $0x8140;
	v22 =	vor.u32 v20, v15;
	v15 =	vadd.s32 v19, v23;
	v23 =	vxor.u32 v27, v62;
	v20 =	vld.idx.msk [tilespmem:v63+s29+$0x0], vm10  }
.LBB2_18:
0x1fa: {  	v25 =	vor.u32 s1, v1;
	v23 =	vnsel vm3, $0x0, v23;
	v5 =	vxor.u32 v5, v21  }
0x1fb: {  	s4 =	sadd.s32 $0xFFFFFF90, s9;
	v24 =	vld [tilespmem:s11+$0x30];
	s10 =	sadd.s32 $0x8, s10;
	vm10 =	vmmov vm11;
	vm13 =	vmmov vm7;
	vm3 =	vmmov vm14  }
0x1fc: {  	s1 =	sadd.s32 $0xFFFFFFA0, s14;
	v21 =	vor.u32 s4, v1;
	v26 =	vld [tilespmem:s11+$0x10];
	p0 =	slt.u32 s10, $0x3F8;
	v5 =	vnsel vm5, $0x0, v5;
	v22 =	vor.u32 v23, v22  }
0x1fd: {  	v10 =	vxor.u32 v10, v17;
	v27 =	vor.u32 s1, v1;
	v23 =	vld [tilespmem:s11+$0x0];
	[tilespmem:v16+s29+$0x0] =	vst.idx.msk vm1, v8;
	v5 =	vor.u32 v5, v22  }
0x1fe: {  	v10 =	vnsel vm2, $0x0, v10;
	v4 =	vxor.u32 v4, v18;
	vm5 =	vmmov vm9;
	v16 =	vld.idx.msk [tilespmem:v16+s29+$0x0], vm1;
	[tilespmem:v19+s29+$0x0] =	vst.idx.msk vm4, v27  }
0x1ff: {  	vm2 =	vmmov vm8;
	v4 =	vnsel vm6, $0x0, v4;
	v5 =	vor.u32 v10, v5;
	v17 =	vld.idx.msk [tilespmem:v19+s29+$0x0], vm4;
	[tilespmem:v15+s29+$0x0] =	vst.idx.msk vm7, v25  }
0x200: {  	s1 =	sadd.s32 $0xFFFFFFE0, s14;
	s4 =	sadd.s32 $0xFFFFFFF0, s14;
	v6 =	vxor.u32 v6, v20;
	v19 =	vor.u32 v4, v5;
	v18 =	vld.idx.msk [tilespmem:v15+s29+$0x0], vm7  }
0x201: {  	s7 =	sadd.s32 $0xFFFFFFD0, s14;
	v10 =	vor.u32 s1, v1;
	v4 =	vor.u32 s4, v1;
	v6 =	vnsel vm12, $0x0, v6;
	v20 =	vld [tilespmem:s11+$0xFFFFFFE0]  }
0x202: {  	v12 =	vadd.s32 v15, v12;
	s1 =	sadd.s32 $0xFFFFFFC0, s14;
	v5 =	vor.u32 s7, v1;
	v6 =	vor.u32 v6, v19;
	v22 =	vld [tilespmem:s11+$0xFFFFFFC0]  }
0x203: {  	v13 =	vadd.s32 v12, v13;
	vm6 =	vne.f32 v14, $0.0e+00;
	v28 =	vor.u32 s1, v1;
	v15 =	vld [tilespmem:s11+$0xFFFFFFD0]  }
0x204: {  	v7 =	vadd.s32 v13, v7;
	vm9 =	vne.f32 v23, $0.0e+00;
	v16 =	vxor.u32 v8, v16;
	v8 =	vmovc v21;
	v14 =	vld [tilespmem:s11+$0xFFFFFFF0]  }
0x205: {  	vm8 =	vne.f32 v26, $0.0e+00;
	v23 =	vadd.s32 v7, v9;
	v19 =	vnsel vm1, $0x0, v16  }
0x206: {  	vm11 =	vne.f32 v24, $0.0e+00;
	v9 =	vsel vm8, $0x10, v3;
	v16 =	vxor.u32 v25, v18  }
0x207: {  	v24 =	vsel vm11, $0x10, v3;
	v17 =	vxor.u32 v27, v17;
	v18 =	vsel vm6, $0x10, v3;
	[tilespmem:v12+s29+$0x0] =	vst.idx.msk vm3, v28  }
0x208: {  	vm7 =	vne.f32 v20, $0.0e+00;
	v25 =	vadd.s32 v23, v18;
	vm1 =	vne.f32 v22, $0.0e+00;
	v20 =	vld.idx.msk [tilespmem:v12+s29+$0x0], vm3;
	[tilespmem:v13+s29+$0x0] =	vst.idx.msk vm5, v5  }
0x209: {  	v12 =	vsel vm7, $0x10, v3;
	vm14 =	vne.f32 v14, $0.0e+00;
	v14 =	vnsel vm4, $0x0, v17;
	v21 =	vld.idx.msk [tilespmem:v13+s29+$0x0], vm5;
	[tilespmem:v7+s29+$0x0] =	vst.idx.msk vm2, v10  }
.Ltmp12:
0x20a: {  	v22 =	vnsel vm13, $0x0, v16;
	v16 =	vadd.s32 v25, v11;
	v13 =	vsel vm14, $0x10, v3;
	v17 =	vld.idx.msk [tilespmem:v7+s29+$0x0], vm2;
	[tilespmem:v23+s29+$0x0] =	vst.idx.msk vm6, v4;
	(pc) =	sbr.rel @p0 .LBB2_18-.Ltmp12, $4  }
0x20b: {  	v19 =	vor.u32 v6, v19;
	v11 =	vmovc v24;
	v26 =	vsel vm1, $0x10, v3;
	v7 =	vsel vm9, $0x10, v3;
	v18 =	vld.idx.msk [tilespmem:v23+s29+$0x0], vm6  }
0x20c: {  	v6 =	vor.u32 s14, v1;
	s14 =	smov.u32 s9;
	vm4 =	vne.f32 v15, $0.0e+00;
	v15 =	vor.u32 v14, v19  }
0x20d: {  	v19 =	vadd.s32 v16, v26;
	v23 =	vsel vm4, $0x10, v3;
	v22 =	vor.u32 v22, v15;
	v14 =	vld [tilespmem:s11+$0x20];
	[tilespmem:v25+s29+$0x0] =	vst.idx.msk vm10, v6  }
0x20e: {  	vm12 =	vmmov vm10;
	s9 =	sadd.s32 $0x80, s9;
	s1 =	sadd.s32 $0xFFFFFFB0, s14;
	v15 =	vadd.s32 v19, v23;
	s11 =	sadd.s32 $0x80, s11;
	v23 =	vxor.u32 v28, v20;
	v20 =	vld.idx.msk [tilespmem:v25+s29+$0x0], vm10  }
0x20f: {  	_ =	sdelay $0x2  }
0x210: {  	v11 =	vor.u32 s1, v1;
	v23 =	vnsel vm3, $0x0, v23  }
0x211: {  	v5 =	vxor.u32 v5, v21;
	vm3 =	vmmov vm11;
	vm10 =	vmmov vm14  }
0x212: {  	s10 =	sadd.s32 $0xFFFFFFA0, s14;
	[tilespmem:v16+s29+$0x0] =	vst.idx.msk vm1, v8;
	v10 =	vxor.u32 v10, v17;
	v12 =	vadd.s32 v15, v12;
	v5 =	vnsel vm5, $0x0, v5  }
0x213: {  	s11 =	sadd.s32 $0xFFFFFFC0, s14;
	v55 =	vor.u32 v23, v22;
	v56 =	vor.u32 s10, v1;
	v16 =	vld.idx.msk [tilespmem:v16+s29+$0x0], vm1;
	v10 =	vnsel vm2, $0x0, v10  }
0x214: {  	v4 =	vxor.u32 v4, v18;
	[tilespmem:v15+s29+$0x0] =	vst.idx.msk vm7, v11;
	v13 =	vadd.s32 v12, v13;
	v58 =	vor.u32 s11, v1  }
0x215: {  	v5 =	vor.u32 v5, v55;
	[tilespmem:v19+s29+$0x0] =	vst.idx.msk vm4, v56;
	v7 =	vadd.s32 v13, v7;
	vm15 =	vne.f32 v14, $0.0e+00  }
0x216: {  	v15 =	vld.idx.msk [tilespmem:v15+s29+$0x0], vm7;
	v5 =	vor.u32 v10, v5;
	v9 =	vadd.s32 v7, v9;
	v10 =	vsel vm15, $0x10, v3  }
0x217: {  	s4 =	sadd.s32 $0xFFFFFFD0, s14;
	v4 =	vnsel vm6, $0x0, v4;
	v57 =	vld.idx.msk [tilespmem:v19+s29+$0x0], vm4;
	v6 =	vxor.u32 v6, v20;
	v10 =	vadd.s32 v9, v10  }
0x218: {  	s20 =	sadd.s32 $0xFFFFFFE0, s14;
	v4 =	vor.u32 v4, v5;
	v5 =	vnsel vm12, $0x0, v6;
	v6 =	vor.u32 s4, v1;
	[tilespmem:v12+s29+$0x0] =	vst.idx.msk vm14, v58  }
0x219: {  	vm13 =	vmmov vm8;
	s7 =	sadd.s32 $0xFFFFFFF0, s14;
	v59 =	vor.u32 s20, v1;
	v4 =	vor.u32 v5, v4;
	v5 =	vld.idx.msk [tilespmem:v12+s29+$0x0], vm14;
	[tilespmem:v13+s29+$0x0] =	vst.idx.msk vm9, v6  }
0x21a: {  	v63 =	vor.u32 s14, v1;
	vm2 =	vmmov vm9;
	v60 =	vor.u32 s7, v1;
	v61 =	vld.idx.msk [tilespmem:v13+s29+$0x0], vm9;
	[tilespmem:v7+s29+$0x0] =	vst.idx.msk vm8, v59  }
0x21b: {  	v8 =	vxor.u32 v8, v16;
	v11 =	vxor.u32 v11, v15;
	v7 =	vld.idx.msk [tilespmem:v7+s29+$0x0], vm8;
	[tilespmem:v9+s29+$0x0] =	vst.idx.msk vm15, v60  }
0x21c: {  	v8 =	vnsel vm1, $0x0, v8;
	vm1 =	vmmov vm7;
	v62 =	vxor.u32 v56, v57;
	v9 =	vld.idx.msk [tilespmem:v9+s29+$0x0], vm15;
	[tilespmem:v10+s29+$0x0] =	vst.idx.msk vm3, v63  }
0x21d: {  	v4 =	vor.u32 v4, v8;
	v8 =	vnsel vm1, $0x0, v11;
	v13 =	vnsel vm4, $0x0, v62;
	v10 =	vld.idx.msk [tilespmem:v10+s29+$0x0], vm3  }
0x21e: {  	vm1 =	vmmov vm3;
	v4 =	vor.u32 v13, v4;
	v5 =	vxor.u32 v58, v5  }
0x21f: {  	v4 =	vor.u32 v8, v4;
	v5 =	vnsel vm10, $0x0, v5;
	v6 =	vxor.u32 v6, v61  }
0x220: {  	v6 =	vnsel vm2, $0x0, v6;
	v4 =	vor.u32 v5, v4;
	v5 =	vxor.u32 v59, v7  }
0x221: {  	v4 =	vor.u32 v6, v4;
	v5 =	vnsel vm13, $0x0, v5;
	v6 =	vxor.u32 v60, v9  }
0x222: {  	v4 =	vor.u32 v5, v4;
	v6 =	vnsel vm15, $0x0, v6;
	v5 =	vxor.u32 v63, v10  }
0x223: {  	v4 =	vor.u32 v6, v4;
	v5 =	vnsel vm1, $0x0, v5  }
0x224: {  	v8 =	vor.u32 v5, v4  }
.LBB2_20:
0x225: {  	s1 =	smin.u32 s15, $0xFEC000  }
0x226: {  	s1 =	sshrl.u32 s1, $0x3  }
0x227: {  	s1 =	sadd.s32 $0x2000, s1  }
0x228: {  	s4 =	sadd.s32 s2, s1  }
0x229: {  	[tilespmem:s23], [sflag:$0x3] =	stream.linear.gather [hbm4b:s4+s3], $0x2000, $0x38;
	[tilespmem:$0x14080] =	vst v63  }
0x22a: {  	s1 =	sadd.s32 s1, s5  }
0x22b: {  	[tilespmem:s24], [sflag:$0x3] =	stream.linear.gather [hbm4b:s1+s3], $0x2000, $0x38;
	[tilespmem:$0x14080] =	vst v63  }
0x22c: {  	_ =	swait.ge [sflag:s0], $0x4000  }
0x22d: {  	[sflag:s0] =	ssyncset.done $0x0  }
0x22e: {  	s10 =	simm.s32 $0xC040;
	[sflag:s0] =	ssyncadd.s32 $0xFFFFC000  }
0x22f: {  	v4 =	vld [tilespmem:s10+$0xFFFFFFC0]  }
0x230: {  	v5 =	vld [tilespmem:s10+$0xFFFFFFD0]  }
0x231: {  	v6 =	vld [tilespmem:s10+$0x0]  }
0x232: {  	v10 =	vld [tilespmem:s10+$0x10]  }
0x233: {  	v11 =	vld [tilespmem:s10+$0xFFFFFFE0]  }
0x234: {  	v7 =	vlaneseq.u32;
	s11 =	sadd.s32 $0xFFFFFF90, s19;
	s7 =	sadd.s32 $0xFFFFFFC0, s19;
	s14 =	sadd.s32 $0xFFFFFFA0, s19;
	v12 =	vld [tilespmem:s10+$0xFFFFFFF0]  }
0x235: {  	s20 =	sadd.s32 $0xFFFFFFE0, s19;
	v9 =	vor.u32 s11, v1;
	v14 =	vor.u32 s7, v1;
	v15 =	vor.u32 s14, v1  }
0x236: {  	v18 =	vor.u32 s20, v1;
	s4 =	simm.s32 $0xC0C0;
	vm5 =	veq.f32 v4, $0.0e+00;
	vm4 =	veq.f32 v5, $0.0e+00  }
0x237: {  	v27 =	vld [tilespmem:s4+$0xFFFFFFD0];
	vm1 =	veq.f32 v6, $0.0e+00;
	vm2 =	veq.f32 v10, $0.0e+00;
	v4 =	vsel vm5, $0x0, v0  }
0x238: {  	s15 =	sadd.s32 $0xFFFFFFB0, s19;
	v26 =	vld [tilespmem:s4+$0xFFFFFFF0];
	vm7 =	veq.f32 v11, $0.0e+00;
	v6 =	vsel vm4, $0x0, v0;
	v4 =	vadd.s32 v7, v4  }
0x239: {  	v5 =	vld [tilespmem:s10+$0x30];
	vm6 =	veq.f32 v12, $0.0e+00;
	v12 =	vor.u32 s15, v1;
	v6 =	vadd.s32 v4, v6  }
0x23a: {  	[tilespmem:v7+s29+$0x0] =	vst.idx.msk $0xffff, v9;
	v17 =	vld [tilespmem:s10+$0x20];
	v13 =	vsel vm1, $0x0, v0;
	v10 =	vsel vm2, $0x0, v0;
	vm5 =	vmor vm0, vm5  }
0x23b: {  	v11 =	vsel vm7, $0x0, v0;
	v16 =	vsel vm6, $0x0, v0;
	v7 =	vld.idx.msk [tilespmem:v7+s29+$0x0], $0xffff;
	vm4 =	vmor vm5, vm4  }
0x23c: {  	v20 =	vld [tilespmem:s4+$0xFFFFFFC0];
	vm4 =	vmor vm4, vm7;
	vm7 =	veq.f32 v27, $0.0e+00;
	v11 =	vadd.s32 v6, v11  }
0x23d: {  	s7 =	sadd.s32 $0xFFFFFFD0, s19;
	v23 =	vld [tilespmem:s4+$0x0];
	vm4 =	vmor vm4, vm6;
	vm6 =	veq.f32 v26, $0.0e+00;
	v16 =	vadd.s32 v11, v16;
	[tilespmem:v4+s29+$0x0] =	vst.idx.msk $0xffff, v15  }
0x23e: {  	vm3 =	veq.f32 v5, $0.0e+00;
	v5 =	vor.u32 s7, v1;
	v13 =	vadd.s32 v16, v13;
	v4 =	vld.idx.msk [tilespmem:v4+s29+$0x0], $0xffff;
	[tilespmem:v6+s29+$0x0] =	vst.idx.msk $0xffff, v12  }
0x23f: {  	s14 =	sadd.s32 $0x80, s19;
	vm1 =	vmor vm4, vm1;
	vm4 =	veq.f32 v17, $0.0e+00;
	v21 =	vadd.s32 v13, v10;
	v22 =	vld.idx.msk [tilespmem:v6+s29+$0x0], $0xffff  }
0x240: {  	s11 =	sadd.s32 $0xFFFFFF90, s14;
	v19 =	vsel vm3, $0x0, v0;
	vm1 =	vmor vm1, vm2;
	v7 =	vxor.u32 v9, v7  }
0x241: {  	v24 =	vld [tilespmem:s4+$0x30];
	vm2 =	veq.f32 v20, $0.0e+00;
	v10 =	vor.u32 s11, v1;
	v17 =	vor.u32 v8, v7  }
0x242: {  	s9 =	sadd.s32 $0xFFFFFFF0, s19;
	v25 =	vld [tilespmem:s4+$0x10];
	v7 =	vsel vm4, $0x0, v0;
	vm4 =	vmor vm1, vm4;
	vm1 =	veq.f32 v23, $0.0e+00  }
0x243: {  	s8 =	sadd.s32 $0xFFFFFFC0, s14;
	v20 =	vadd.s32 v21, v7;
	v15 =	vxor.u32 v15, v4;
	v4 =	vor.u32 s9, v1  }
0x244: {  	v6 =	vor.u32 s8, v1;
	v7 =	vsel vm2, $0x0, v0;
	[tilespmem:v21+s29+$0x0] =	vst.idx.msk $0xffff, v4;
	v12 =	vxor.u32 v12, v22;
	v22 =	vld [tilespmem:s4+$0xFFFFFFE0]  }
0x245: {  	vm5 =	vmor vm4, vm3;
	[tilespmem:v11+s29+$0x0] =	vst.idx.msk $0xffff, v14;
	v29 =	vsel vm1, $0x0, v0;
	v19 =	vadd.s32 v20, v19;
	v21 =	vld.idx.msk [tilespmem:v21+s29+$0x0], $0xffff  }
0x246: {  	[tilespmem:v16+s29+$0x0] =	vst.idx.msk $0xffff, v5;
	v28 =	vadd.s32 v19, v7;
	v15 =	vor.u32 v15, v17;
	v17 =	vld.idx.msk [tilespmem:v11+s29+$0x0], $0xffff  }
0x247: {  	s10 =	sadd.s32 $0xFFFFFFA0, s14;
	vm3 =	veq.f32 v25, $0.0e+00;
	vm4 =	veq.f32 v24, $0.0e+00;
	[tilespmem:v13+s29+$0x0] =	vst.idx.msk $0xffff, v18;
	v7 =	vor.u32 s19, v1;
	v30 =	vld.idx.msk [tilespmem:v16+s29+$0x0], $0xffff  }
0x248: {  	v26 =	vsel vm3, $0x0, v0;
	v23 =	vld.idx.msk [tilespmem:v13+s29+$0x0], $0xffff;
	v13 =	vor.u32 s10, v1;
	[tilespmem:v20+s29+$0x0] =	vst.idx.msk $0xffff, v7;
	v11 =	vsel vm7, $0x0, v0  }
0x249: {  	v25 =	vor.u32 v12, v15;
	v24 =	vld.idx.msk [tilespmem:v20+s29+$0x0], $0xffff;
	v20 =	vsel vm6, $0x0, v0;
	vm8 =	veq.f32 v22, $0.0e+00  }
0x24a: {  	[tilespmem:v19+s29+$0x0] =	vst.idx.msk $0xffff, v10;
	v16 =	vxor.u32 v4, v21;
	v21 =	vadd.s32 v28, v11;
	v15 =	vsel vm8, $0x0, v0  }
0x24b: {  	[tilespmem:v28+s29+$0x0] =	vst.idx.msk $0xffff, v13;
	v17 =	vxor.u32 v14, v17;
	v22 =	vld.idx.msk [tilespmem:v19+s29+$0x0], $0xffff;
	v15 =	vadd.s32 v21, v15  }
0x24c: {  	s15 =	sadd.s32 $0xFFFFFFB0, s14;
	v19 =	vxor.u32 v5, v30;
	v14 =	vadd.s32 v15, v20;
	v20 =	vor.u32 v17, v25  }
0x24d: {  	s20 =	sadd.s32 $0xFFFFFFE0, s14;
	v12 =	vor.u32 s15, v1;
	v27 =	vxor.u32 v18, v23;
	v25 =	vor.u32 v19, v20;
	v20 =	vld.idx.msk [tilespmem:v28+s29+$0x0], $0xffff  }
0x24e: {  	s13 =	sor.u32 $0xC000, s13;
	s1 =	sadd.s32 $0xFFFFFFD0, s14;
	s8 =	sadd.s32 $0x80, s14;
	v23 =	vsel vm4, $0x0, v0;
	v11 =	vor.u32 s20, v1;
	v17 =	vadd.s32 v14, v29  }
0x24f: {  	s10 =	smov.u32 s14;
	s9 =	simm.s32 $0x8;
	v18 =	vld [tilespmem:s4+$0x20];
	s4 =	simm.s32 $0xC140;
	v24 =	vxor.u32 v7, v24;
	v19 =	vadd.s32 v17, v26;
	v25 =	vor.u32 v27, v25  }
.LBB2_21:
0x250: {  	v26 =	vld [tilespmem:s4+$0xFFFFFFC0];
	s7 =	sadd.s32 $0xFFFFFF90, s8;
	s15 =	sadd.s32 $0xFFFFFFC0, s8;
	s9 =	sadd.s32 $0x8, s9;
	v22 =	vxor.u32 v10, v22;
	vm2 =	vmor vm5, vm2;
	[tilespmem:v21+s29+$0x0] =	vst.idx.msk $0xffff, v12;
	v27 =	vor.u32 s1, v1  }
0x251: {  	v16 =	vor.u32 v16, v25;
	v10 =	vor.u32 s7, v1;
	v28 =	vor.u32 s15, v1;
	p0 =	slt.u32 s9, $0x3F8;
	v21 =	vld.idx.msk [tilespmem:v21+s29+$0x0], $0xffff;
	[tilespmem:v15+s29+$0x0] =	vst.idx.msk $0xffff, v6  }
0x252: {  	v13 =	vxor.u32 v13, v20;
	s1 =	sadd.s32 $0xFFFFFFF0, s10;
	vm2 =	vmor vm2, vm7;
	v16 =	vor.u32 v24, v16;
	v25 =	vld [tilespmem:s4+$0x0];
	[tilespmem:v14+s29+$0x0] =	vst.idx.msk $0xffff, v27  }
0x253: {  	v24 =	vor.u32 s1, v1;
	vm2 =	vmor vm2, vm8;
	v16 =	vor.u32 v16, v22;
	v20 =	vld [tilespmem:s4+$0x30];
	[tilespmem:v17+s29+$0x0] =	vst.idx.msk $0xffff, v11  }
0x254: {  	vm2 =	vmor vm2, vm6;
	v22 =	vld [tilespmem:s4+$0x10];
	[tilespmem:v19+s29+$0x0] =	vst.idx.msk $0xffff, v24  }
0x255: {  	vm5 =	veq.f32 v18, $0.0e+00;
	vm1 =	vmor vm2, vm1;
	v29 =	vld [tilespmem:s4+$0xFFFFFFF0]  }
0x256: {  	v30 =	vsel vm5, $0x0, v0;
	vm1 =	vmor vm1, vm3;
	v18 =	vld [tilespmem:s4+$0xFFFFFFD0]  }
0x257: {  	vm2 =	veq.f32 v26, $0.0e+00;
	v12 =	vxor.u32 v12, v21;
	v21 =	vld.idx.msk [tilespmem:v19+s29+$0x0], $0xffff;
	v19 =	vadd.s32 v19, v30  }
0x258: {  	v26 =	vsel vm2, $0x0, v0;
	vm3 =	vmor vm1, vm5;
	v17 =	vld.idx.msk [tilespmem:v17+s29+$0x0], $0xffff;
	v23 =	vadd.s32 v19, v23  }
0x259: {  	vm1 =	veq.f32 v25, $0.0e+00;
	vm5 =	vmor vm3, vm4;
	v26 =	vadd.s32 v23, v26;
	v30 =	vld [tilespmem:s4+$0xFFFFFFE0]  }
0x25a: {  	v32 =	vor.u32 s10, v1;
	s10 =	smov.u32 s8;
	s1 =	sadd.s32 $0xFFFFFFA0, s8;
	v25 =	vsel vm1, $0x0, v0;
	v31 =	vld.idx.msk [tilespmem:v15+s29+$0x0], $0xffff;
	v15 =	vor.u32 v13, v16  }
0x25b: {  	vm3 =	veq.f32 v22, $0.0e+00;
	v13 =	vor.u32 s1, v1;
	v33 =	vld.idx.msk [tilespmem:v14+s29+$0x0], $0xffff;
	v34 =	vor.u32 v12, v15  }
0x25c: {  	s1 =	sadd.s32 $0xFFFFFFB0, s8;
	vm6 =	veq.f32 v29, $0.0e+00;
	v29 =	vsel vm3, $0x0, v0;
	vm7 =	veq.f32 v18, $0.0e+00;
	v18 =	vld [tilespmem:s4+$0x20];
	[tilespmem:v19+s29+$0x0] =	vst.idx.msk $0xffff, v32  }
0x25d: {  	vm4 =	veq.f32 v20, $0.0e+00;
	v12 =	vor.u32 s1, v1;
	v16 =	vxor.u32 v24, v21;
	[tilespmem:v23+s29+$0x0] =	vst.idx.msk $0xffff, v10;
	v24 =	vld.idx.msk [tilespmem:v19+s29+$0x0], $0xffff  }
0x25e: {  	s1 =	sadd.s32 $0xFFFFFFE0, s8;
	v14 =	vsel vm7, $0x0, v0;
	v19 =	vsel vm6, $0x0, v0;
	v22 =	vld.idx.msk [tilespmem:v23+s29+$0x0], $0xffff;
	[tilespmem:v26+s29+$0x0] =	vst.idx.msk $0xffff, v13;
	vm8 =	veq.f32 v30, $0.0e+00  }
.Ltmp13:
0x25f: {  	v21 =	vadd.s32 v26, v14;
	v23 =	vor.u32 s1, v1;
	v20 =	vld.idx.msk [tilespmem:v26+s29+$0x0], $0xffff;
	v14 =	vsel vm8, $0x0, v0;
	(pc) =	sbr.rel @p0 .LBB2_21-.Ltmp13, $4  }
0x260: {  	v30 =	vxor.u32 v11, v17;
	v26 =	vxor.u32 v6, v31;
	v6 =	vmovc v28;
	v15 =	vadd.s32 v21, v14  }
0x261: {  	v11 =	vmovc v23;
	v26 =	vor.u32 v26, v34;
	v14 =	vadd.s32 v15, v19;
	v19 =	vxor.u32 v27, v33  }
0x262: {  	v23 =	vsel vm4, $0x0, v0;
	v17 =	vadd.s32 v14, v25;
	v25 =	vor.u32 v19, v26  }
0x263: {  	s8 =	sadd.s32 $0x80, s8;
	s4 =	sadd.s32 $0x80, s4;
	s1 =	sadd.s32 $0xFFFFFFD0, s10;
	v24 =	vxor.u32 v32, v24;
	v19 =	vadd.s32 v17, v29;
	v25 =	vor.u32 v30, v25  }
0x264: {  	vm2 =	vmor vm5, vm2  }
0x265: {  	vm2 =	vmor vm2, vm7  }
0x266: {  	vm2 =	vmor vm2, vm8  }
0x267: {  	vm2 =	vmor vm2, vm6  }
0x268: {  	vm1 =	vmor vm2, vm1  }
0x269: {  	vm2 =	veq.f32 v18, $0.0e+00;
	vm1 =	vmor vm1, vm3  }
0x26a: {  	vm1 =	vmor vm1, vm2  }
0x26b: {  	vm1 =	vmor vm1, vm4  }
0x26c: {  	v56 =	vsel vm1, $0x3F800000, v2  }
0x26d: {  	(xrf0) =	vmax.scan.msk.f32 $0xffff, v56;
	_ =	sdelay $0x5  }
0x26e: {  	v18, _, _ =	vpop (xrf0)  }
0x26f: {  	(v2sf) =	vpush v18, $0xF;
	_ =	sdelay $0x7  }
0x270: {  	v57 =	vsel vm2, $0x0, v0  }
0x271: {  	[tilespmem:v21+s29+$0x0] =	vst.idx.msk $0xffff, v12;
	v18 =	vadd.s32 v19, v57  }
0x272: {  	v23 =	vor.u32 s1, v1;
	[tilespmem:v15+s29+$0x0] =	vst.idx.msk $0xffff, v6;
	v21 =	vld.idx.msk [tilespmem:v21+s29+$0x0], $0xffff  }
0x273: {  	v10 =	vxor.u32 v10, v22;
	s15 =	sadd.s32 $0xFFFFFFF0, s10;
	[tilespmem:v14+s29+$0x0] =	vst.idx.msk $0xffff, v23;
	v15 =	vld.idx.msk [tilespmem:v15+s29+$0x0], $0xffff  }
0x274: {  	v16 =	vor.u32 v16, v25;
	[tilespmem:v17+s29+$0x0] =	vst.idx.msk $0xffff, v11;
	v58 =	vor.u32 s15, v1;
	v14 =	vld.idx.msk [tilespmem:v14+s29+$0x0], $0xffff  }
0x275: {  	v59 =	vor.u32 s10, v1;
	v16 =	vor.u32 v24, v16;
	v17 =	vld.idx.msk [tilespmem:v17+s29+$0x0], $0xffff;
	[tilespmem:v19+s29+$0x0] =	vst.idx.msk $0xffff, v58  }
0x276: {  	v13 =	vxor.u32 v13, v20;
	v10 =	vor.u32 v16, v10;
	v60 =	vld.idx.msk [tilespmem:v19+s29+$0x0], $0xffff;
	[tilespmem:v18+s29+$0x0] =	vst.idx.msk $0xffff, v59  }
0x277: {  	v10 =	vor.u32 v13, v10;
	v61 =	vxor.u32 v12, v21;
	v62 =	vld.idx.msk [tilespmem:v18+s29+$0x0], $0xffff;
	s20 =	spop (v2sf)  }
0x278: {  	v6 =	vxor.u32 v6, v15;
	v10 =	vor.u32 v61, v10;
	p0 =	sgt.f32 s20, $0.0e+00  }
.Ltmp14:
0x279: {  	v63 =	vxor.u32 v23, v14;
	v6 =	vor.u32 v6, v10;
	(pc) =	sbr.rel @!p0 .LBB2_26-.Ltmp14, $4  }
0x27a: {  	v10 =	vxor.u32 v11, v17;
	v6 =	vor.u32 v63, v6  }
0x27b: {  	v11 =	vxor.u32 v58, v60;
	v6 =	vor.u32 v10, v6  }
0x27c: {  	v6 =	vor.u32 v11, v6;
	v10 =	vxor.u32 v59, v62  }
0x27d: {  	v6 =	vor.u32 v10, v6  }
0x27e: {  	s1 =	simm.s32 $0xC040  }
0x27f: {  	v6 =	vld [tilespmem:s1+$0xFFFFFFC0]  }
0x280: {  	v10 =	vld [tilespmem:s1+$0xFFFFFFD0]  }
0x281: {  	v11 =	vld [tilespmem:s1+$0xFFFFFFE0]  }
0x282: {  	v12 =	vld [tilespmem:s1+$0x30]  }
0x283: {  	v13 =	vld [tilespmem:s1+$0x10]  }
0x284: {  	s4 =	simm.s32 $0xC0C0;
	v14 =	vld [tilespmem:s1+$0x0]  }
0x285: {  	v17 =	vld [tilespmem:s4+$0x30];
	vm1 =	vne.f32 v6, $0.0e+00  }
0x286: {  	v18 =	vld [tilespmem:s4+$0x0];
	v6 =	vlaneseq.u32;
	vm4 =	vne.f32 v10, $0.0e+00;
	v15 =	vsel vm1, $0x10, v3  }
0x287: {  	vm2 =	vne.f32 v11, $0.0e+00;
	v11 =	vadd.s32 v6, v15;
	v15 =	vsel vm4, $0x10, v3  }
0x288: {  	s10 =	sadd.s32 $0xFFFFFFA0, s19;
	s7 =	sadd.s32 $0xFFFFFFB0, s19;
	v10 =	vld [tilespmem:s1+$0xFFFFFFF0];
	v15 =	vadd.s32 v11, v15  }
0x289: {  	s20 =	sadd.s32 $0xFFFFFFC0, s19;
	v19 =	vor.u32 s10, v1;
	v21 =	vor.u32 s7, v1;
	vm3 =	vne.f32 v12, $0.0e+00;
	v12 =	vld [tilespmem:s4+$0x10]  }
0x28a: {  	v16 =	vld [tilespmem:s1+$0x20];
	v27 =	vor.u32 s20, v1;
	vm5 =	vne.f32 v14, $0.0e+00;
	vm6 =	vne.f32 v13, $0.0e+00  }
0x28b: {  	v26 =	vld [tilespmem:s4+$0xFFFFFFE0];
	vm9 =	vne.f32 v18, $0.0e+00;
	vm11 =	vne.f32 v17, $0.0e+00;
	v13 =	vsel vm6, $0x10, v3;
	[tilespmem:v6+s29+$0x0] =	vst.idx.msk vm1, v9  }
0x28c: {  	v14 =	vsel vm3, $0x10, v3;
	v20 =	vsel vm2, $0x10, v3;
	v24 =	vsel vm5, $0x10, v3;
	v22 =	vld.idx.msk [tilespmem:v6+s29+$0x0], vm1;
	[tilespmem:v11+s29+$0x0] =	vst.idx.msk vm4, v19  }
0x28d: {  	s15 =	sadd.s32 $0xFFFFFFE0, s19;
	vm10 =	vmmov vm3;
	vm12 =	vmmov vm2;
	vm5 =	vmmov vm5;
	v11 =	vld.idx.msk [tilespmem:v11+s29+$0x0], vm4;
	[tilespmem:v15+s29+$0x0] =	vst.idx.msk vm2, v21  }
0x28e: {  	vm7 =	vne.f32 v10, $0.0e+00;
	v10 =	vor.u32 s15, v1;
	vm8 =	vne.f32 v12, $0.0e+00;
	v25 =	vld.idx.msk [tilespmem:v15+s29+$0x0], vm2  }
0x28f: {  	v23 =	vsel vm7, $0x10, v3;
	vm3 =	vmmov vm7;
	v15 =	vadd.s32 v15, v20;
	v20 =	vld [tilespmem:s4+$0xFFFFFFC0]  }
0x290: {  	vm2 =	vmmov vm6;
	vm6 =	vne.f32 v16, $0.0e+00;
	v16 =	vld [tilespmem:s4+$0xFFFFFFF0];
	v23 =	vadd.s32 v15, v23  }
0x291: {  	v6 =	vor.u32 s11, v1;
	v9 =	vxor.u32 v9, v22;
	v22 =	vadd.s32 v23, v24  }
0x292: {  	v12 =	vsel vm6, $0x10, v3;
	v18 =	vnsel vm1, $0x0, v9;
	v24 =	vadd.s32 v22, v13  }
0x293: {  	v28 =	vld [tilespmem:s4+$0xFFFFFFD0];
	v9 =	vsel vm8, $0x10, v3;
	v13 =	vxor.u32 v19, v11;
	v11 =	vsel vm11, $0x10, v3  }
0x294: {  	v17 =	vxor.u32 v21, v25;
	[tilespmem:v15+s29+$0x0] =	vst.idx.msk vm7, v27;
	vm7 =	vne.f32 v26, $0.0e+00;
	v63 =	vadd.s32 v24, v12  }
0x295: {  	vm1 =	vne.f32 v20, $0.0e+00;
	vm14 =	vne.f32 v16, $0.0e+00;
	v19 =	vor.u32 v8, v18;
	v62 =	vld.idx.msk [tilespmem:v15+s29+$0x0], vm3;
	[tilespmem:v23+s29+$0x0] =	vst.idx.msk vm5, v5  }
0x296: {  	v15 =	vnsel vm4, $0x0, v13;
	v16 =	vadd.s32 v63, v14;
	v14 =	vsel vm1, $0x10, v3;
	v21 =	vld.idx.msk [tilespmem:v23+s29+$0x0], vm5  }
0x297: {  	v8 =	vsel vm9, $0x10, v3;
	v15 =	vor.u32 v15, v19;
	v19 =	vadd.s32 v16, v14;
	v14 =	vld [tilespmem:s4+$0x20];
	[tilespmem:v22+s29+$0x0] =	vst.idx.msk vm2, v10  }
0x298: {  	v12 =	vsel vm7, $0x10, v3;
	v20 =	vnsel vm12, $0x0, v17;
	vm4 =	vne.f32 v28, $0.0e+00;
	v17 =	vld.idx.msk [tilespmem:v22+s29+$0x0], vm2;
	[tilespmem:v24+s29+$0x0] =	vst.idx.msk vm6, v4  }
0x299: {  	s9 =	sadd.s32 $0x80, s14;
	v13 =	vsel vm14, $0x10, v3;
	vm12 =	vmmov vm10;
	v23 =	vsel vm4, $0x10, v3;
	v18 =	vld.idx.msk [tilespmem:v24+s29+$0x0], vm6;
	[tilespmem:v63+s29+$0x0] =	vst.idx.msk vm10, v7  }
0x29a: {  	s10 =	simm.s32 $0x8;
	s1 =	sadd.s32 $0xFFFFFFB0, s14;
	s11 =	simm.s32 $0xC140;
	v22 =	vor.u32 v20, v15;
	v15 =	vadd.s32 v19, v23;
	v23 =	vxor.u32 v27, v62;
	v20 =	vld.idx.msk [tilespmem:v63+s29+$0x0], vm10  }
.LBB2_24:
0x29b: {  	v25 =	vor.u32 s1, v1;
	v23 =	vnsel vm3, $0x0, v23;
	v5 =	vxor.u32 v5, v21  }
0x29c: {  	s4 =	sadd.s32 $0xFFFFFF90, s9;
	v24 =	vld [tilespmem:s11+$0x30];
	s10 =	sadd.s32 $0x8, s10;
	vm10 =	vmmov vm11;
	vm13 =	vmmov vm7;
	vm3 =	vmmov vm14  }
0x29d: {  	s1 =	sadd.s32 $0xFFFFFFA0, s14;
	v21 =	vor.u32 s4, v1;
	v26 =	vld [tilespmem:s11+$0x10];
	p0 =	slt.u32 s10, $0x3F8;
	v5 =	vnsel vm5, $0x0, v5;
	v22 =	vor.u32 v23, v22  }
0x29e: {  	v10 =	vxor.u32 v10, v17;
	v27 =	vor.u32 s1, v1;
	v23 =	vld [tilespmem:s11+$0x0];
	[tilespmem:v16+s29+$0x0] =	vst.idx.msk vm1, v6;
	v5 =	vor.u32 v5, v22  }
0x29f: {  	v10 =	vnsel vm2, $0x0, v10;
	v4 =	vxor.u32 v4, v18;
	vm5 =	vmmov vm9;
	v16 =	vld.idx.msk [tilespmem:v16+s29+$0x0], vm1;
	[tilespmem:v19+s29+$0x0] =	vst.idx.msk vm4, v27  }
0x2a0: {  	vm2 =	vmmov vm8;
	v4 =	vnsel vm6, $0x0, v4;
	v5 =	vor.u32 v10, v5;
	v17 =	vld.idx.msk [tilespmem:v19+s29+$0x0], vm4;
	[tilespmem:v15+s29+$0x0] =	vst.idx.msk vm7, v25  }
0x2a1: {  	s1 =	sadd.s32 $0xFFFFFFE0, s14;
	s4 =	sadd.s32 $0xFFFFFFF0, s14;
	v7 =	vxor.u32 v7, v20;
	v19 =	vor.u32 v4, v5;
	v18 =	vld.idx.msk [tilespmem:v15+s29+$0x0], vm7  }
0x2a2: {  	s7 =	sadd.s32 $0xFFFFFFD0, s14;
	v10 =	vor.u32 s1, v1;
	v4 =	vor.u32 s4, v1;
	v7 =	vnsel vm12, $0x0, v7;
	v20 =	vld [tilespmem:s11+$0xFFFFFFE0]  }
0x2a3: {  	v12 =	vadd.s32 v15, v12;
	s1 =	sadd.s32 $0xFFFFFFC0, s14;
	v5 =	vor.u32 s7, v1;
	v7 =	vor.u32 v7, v19;
	v22 =	vld [tilespmem:s11+$0xFFFFFFC0]  }
0x2a4: {  	v13 =	vadd.s32 v12, v13;
	vm6 =	vne.f32 v14, $0.0e+00;
	v28 =	vor.u32 s1, v1;
	v15 =	vld [tilespmem:s11+$0xFFFFFFD0]  }
0x2a5: {  	v8 =	vadd.s32 v13, v8;
	vm9 =	vne.f32 v23, $0.0e+00;
	v16 =	vxor.u32 v6, v16;
	v6 =	vmovc v21;
	v14 =	vld [tilespmem:s11+$0xFFFFFFF0]  }
0x2a6: {  	vm8 =	vne.f32 v26, $0.0e+00;
	v23 =	vadd.s32 v8, v9;
	v19 =	vnsel vm1, $0x0, v16  }
0x2a7: {  	vm11 =	vne.f32 v24, $0.0e+00;
	v9 =	vsel vm8, $0x10, v3;
	v16 =	vxor.u32 v25, v18  }
0x2a8: {  	v24 =	vsel vm11, $0x10, v3;
	v17 =	vxor.u32 v27, v17;
	v18 =	vsel vm6, $0x10, v3;
	[tilespmem:v12+s29+$0x0] =	vst.idx.msk vm3, v28  }
0x2a9: {  	vm7 =	vne.f32 v20, $0.0e+00;
	v25 =	vadd.s32 v23, v18;
	vm1 =	vne.f32 v22, $0.0e+00;
	v20 =	vld.idx.msk [tilespmem:v12+s29+$0x0], vm3;
	[tilespmem:v13+s29+$0x0] =	vst.idx.msk vm5, v5  }
0x2aa: {  	v12 =	vsel vm7, $0x10, v3;
	vm14 =	vne.f32 v14, $0.0e+00;
	v14 =	vnsel vm4, $0x0, v17;
	v21 =	vld.idx.msk [tilespmem:v13+s29+$0x0], vm5;
	[tilespmem:v8+s29+$0x0] =	vst.idx.msk vm2, v10  }
.Ltmp15:
0x2ab: {  	v22 =	vnsel vm13, $0x0, v16;
	v16 =	vadd.s32 v25, v11;
	v13 =	vsel vm14, $0x10, v3;
	v17 =	vld.idx.msk [tilespmem:v8+s29+$0x0], vm2;
	[tilespmem:v23+s29+$0x0] =	vst.idx.msk vm6, v4;
	(pc) =	sbr.rel @p0 .LBB2_24-.Ltmp15, $4  }
0x2ac: {  	v19 =	vor.u32 v7, v19;
	v11 =	vmovc v24;
	v26 =	vsel vm1, $0x10, v3;
	v8 =	vsel vm9, $0x10, v3;
	v18 =	vld.idx.msk [tilespmem:v23+s29+$0x0], vm6  }
0x2ad: {  	v7 =	vor.u32 s14, v1;
	s14 =	smov.u32 s9;
	vm4 =	vne.f32 v15, $0.0e+00;
	v15 =	vor.u32 v14, v19  }
0x2ae: {  	v19 =	vadd.s32 v16, v26;
	v23 =	vsel vm4, $0x10, v3;
	v22 =	vor.u32 v22, v15;
	v14 =	vld [tilespmem:s11+$0x20];
	[tilespmem:v25+s29+$0x0] =	vst.idx.msk vm10, v7  }
0x2af: {  	vm12 =	vmmov vm10;
	s9 =	sadd.s32 $0x80, s9;
	s1 =	sadd.s32 $0xFFFFFFB0, s14;
	v15 =	vadd.s32 v19, v23;
	s11 =	sadd.s32 $0x80, s11;
	v23 =	vxor.u32 v28, v20;
	v20 =	vld.idx.msk [tilespmem:v25+s29+$0x0], vm10  }
0x2b0: {  	_ =	sdelay $0x1  }
0x2b1: {  	v11 =	vor.u32 s1, v1;
	v23 =	vnsel vm3, $0x0, v23  }
0x2b2: {  	v5 =	vxor.u32 v5, v21;
	vm3 =	vmmov vm11;
	vm10 =	vmmov vm14  }
0x2b3: {  	s11 =	sadd.s32 $0xFFFFFFA0, s14;
	v10 =	vxor.u32 v10, v17;
	v12 =	vadd.s32 v15, v12;
	v5 =	vnsel vm5, $0x0, v5  }
0x2b4: {  	[tilespmem:v16+s29+$0x0] =	vst.idx.msk vm1, v6;
	s15 =	sadd.s32 $0xFFFFFFC0, s14;
	v54 =	vor.u32 v23, v22;
	v55 =	vor.u32 s11, v1;
	v10 =	vnsel vm2, $0x0, v10  }
0x2b5: {  	v16 =	vld.idx.msk [tilespmem:v16+s29+$0x0], vm1;
	v4 =	vxor.u32 v4, v18;
	v13 =	vadd.s32 v12, v13;
	v58 =	vor.u32 s15, v1  }
0x2b6: {  	[tilespmem:v15+s29+$0x0] =	vst.idx.msk vm7, v11;
	v5 =	vor.u32 v5, v54;
	v8 =	vadd.s32 v13, v8;
	vm15 =	vne.f32 v14, $0.0e+00  }
0x2b7: {  	[tilespmem:v19+s29+$0x0] =	vst.idx.msk vm4, v55;
	v4 =	vnsel vm6, $0x0, v4;
	v15 =	vld.idx.msk [tilespmem:v15+s29+$0x0], vm7;
	v9 =	vadd.s32 v8, v9;
	v57 =	vsel vm15, $0x10, v3  }
0x2b8: {  	s4 =	sadd.s32 $0xFFFFFFD0, s14;
	v56 =	vld.idx.msk [tilespmem:v19+s29+$0x0], vm4;
	v5 =	vor.u32 v10, v5;
	v7 =	vxor.u32 v7, v20;
	v10 =	vadd.s32 v9, v57  }
0x2b9: {  	s20 =	sadd.s32 $0xFFFFFFE0, s14;
	v4 =	vor.u32 v4, v5;
	v5 =	vnsel vm12, $0x0, v7;
	v7 =	vor.u32 s4, v1;
	[tilespmem:v12+s29+$0x0] =	vst.idx.msk vm14, v58  }
0x2ba: {  	vm13 =	vmmov vm8;
	s7 =	sadd.s32 $0xFFFFFFF0, s14;
	v59 =	vor.u32 s20, v1;
	v4 =	vor.u32 v5, v4;
	v5 =	vld.idx.msk [tilespmem:v12+s29+$0x0], vm14;
	[tilespmem:v13+s29+$0x0] =	vst.idx.msk vm9, v7  }
0x2bb: {  	v63 =	vor.u32 s14, v1;
	vm2 =	vmmov vm9;
	v60 =	vor.u32 s7, v1;
	v61 =	vld.idx.msk [tilespmem:v13+s29+$0x0], vm9;
	[tilespmem:v8+s29+$0x0] =	vst.idx.msk vm8, v59  }
0x2bc: {  	v6 =	vxor.u32 v6, v16;
	v11 =	vxor.u32 v11, v15;
	v8 =	vld.idx.msk [tilespmem:v8+s29+$0x0], vm8;
	[tilespmem:v9+s29+$0x0] =	vst.idx.msk vm15, v60  }
0x2bd: {  	v6 =	vnsel vm1, $0x0, v6;
	vm1 =	vmmov vm7;
	v62 =	vxor.u32 v55, v56;
	v9 =	vld.idx.msk [tilespmem:v9+s29+$0x0], vm15;
	[tilespmem:v10+s29+$0x0] =	vst.idx.msk vm3, v63  }
0x2be: {  	v4 =	vor.u32 v4, v6;
	v6 =	vnsel vm1, $0x0, v11;
	v13 =	vnsel vm4, $0x0, v62;
	v10 =	vld.idx.msk [tilespmem:v10+s29+$0x0], vm3  }
0x2bf: {  	vm1 =	vmmov vm3;
	v4 =	vor.u32 v13, v4;
	v5 =	vxor.u32 v58, v5  }
0x2c0: {  	v4 =	vor.u32 v6, v4;
	v5 =	vnsel vm10, $0x0, v5;
	v6 =	vxor.u32 v7, v61  }
.Ltmp16:
0x2c1: {  	v6 =	vnsel vm2, $0x0, v6;
	v4 =	vor.u32 v5, v4;
	v5 =	vxor.u32 v59, v8;
	(pc) =	sbr.rel .LBB2_26-.Ltmp16, $4  }
0x2c2: {  	v4 =	vor.u32 v6, v4;
	v5 =	vnsel vm13, $0x0, v5;
	v6 =	vxor.u32 v60, v9  }
0x2c3: {  	v4 =	vor.u32 v5, v4;
	v6 =	vnsel vm15, $0x0, v6;
	v5 =	vxor.u32 v63, v10  }
0x2c4: {  	v4 =	vor.u32 v6, v4;
	v5 =	vnsel vm1, $0x0, v5  }
0x2c5: {  	v6 =	vor.u32 v5, v4  }
.LBB2_28:
0x2c6: {  	_ =	sfence.sel $0x180000  }
0x2c7: {  	[bflag:$0x0] =	sbarrier.arrive $0xFFFF  }
0x2c8: {  	_ =	strace $0x90000047  }
0x2c9: {  	s0 =	stileid.u32;
	[bflag:$0x2] =	sbarrier.arrive $0xFFFF  }
0x2ca: {  	p0 =	sne.s32 s0, $0x0;
	s0 =	rddreg [dreg:$0x2]  }
0x2cb: {  	s0 =	sadd.s32 @!p0 $0x100000, s0  }
0x2cc: {  	[sflag:s0] =	ssyncadd.tile.s32 @!p0 $0x1;
	_ =	shalt  }
.Lfunc_end2:
_tile_overlayer_lowered:
.L_overlay_start_2:
0x2cd: {  	(tag) =	ssettag $0x2  }
0x2ce: {  	s0 =	rddreg [dreg:$0x0];
	s2 =	stileid.u32  }
0x2cf: {  	s1 =	rddreg [dreg:$0x1];
	p0 =	sne.s32 s2, $0x0  }
0x2d0: {  	s3 =	rddreg [dreg:$0x2];
	[bflag:$0x3] =	sbarrier.arrive $0xFFFF;
	s2 =	simm.s32 @!p0 $0x1C05  }
0x2d1: {  	[timem:s3], [sflag:s2] =	dma.local @!p0 [hbm:s0], s1  }
0x2d2: {  	s0 =	simm.s32 @!p0 $0x5  }
0x2d3: {  	_ =	swait.ge @!p0 [sflag:s0], s1  }
0x2d4: {  	s1 =	ssub.s32 @!p0 $0x0, s1;
	[sflag:s0] =	ssyncset.done @!p0 $0x0  }
0x2d5: {  	[sflag:s0] =	ssyncadd.s32 @!p0 s1  }
0x2d6: {  	[bflag:$0x3] =	sbarrier.arrive $0xFFFF  }
0x2d7: {  	_ =	shalt  }

</sc_bundles>
